<compile_context>
chip_gen: v7x
topology: tpu7x:2x2x1
jax: 0.10.2.dev20260603
libtpu: 0.0.44.dev20260713+nightly
codegen_flags: <defaults>
</compile_context>

<pallas_src>
import functools

import jax
import jax.numpy as jnp
from jax import lax
from jax.experimental import pallas as pl
from jax.experimental.pallas import tpu as pltpu
from jax.experimental.pallas import tpu_sc as plsc

NC = 2
NS = 16
NW = NC * NS
L = 16
CH = 256
NBUF = 2
CU = 8


@functools.partial(jax.jit, static_argnums=(2, 3))
def _sc_lookup(ids, table_flat, B, D):
    b_per_w = B // NW
    iters = b_per_w // CH
    rounds = iters // NBUF
    ng = CH // L
    mesh = plsc.VectorSubcoreMesh(core_axis_name="c", subcore_axis_name="s")

    @functools.partial(
        pl.kernel,
        mesh=mesh,
        compiler_params=pltpu.CompilerParams(needs_layout_passes=False),
        out_type=jax.ShapeDtypeStruct((B * D,), jnp.float32),
        scratch_types=[
            pltpu.VMEM((b_per_w,), jnp.int32),
            pltpu.VMEM((5 * D,), jnp.float32),
            [pltpu.VMEM((CH * D,), jnp.float32) for _ in range(NBUF)],
            pltpu.SemaphoreType.DMA,
            [pltpu.SemaphoreType.DMA for _ in range(NBUF)],
        ],
    )
    def k(ids_hbm, table_hbm, out_hbm, idx_v, table_v, rows, gsem, wsems):
        wid = lax.axis_index("s") * NC + lax.axis_index("c")
        base = wid * b_per_w

        pltpu.sync_copy(table_hbm, table_v)
        pltpu.async_copy(ids_hbm.at[pl.ds(base, b_per_w)], idx_v, gsem).wait()

        lane = lax.iota(jnp.int32, L)
        pos128 = [(g * L + lane) * D for g in range(ng)]

        def build(t, rows_b):
            ids128 = [
                idx_v[pl.ds(t * CH + g * L, L)] * D for g in range(ng)
            ]

            @plsc.parallel_loop(0, D, unroll=CU)
            def _cols(c):
                diag = (lane + c) & (D - 1)
                for g in range(ng):
                    vals = plsc.load_gather(table_v, [ids128[g] + diag])
                    plsc.store_scatter(rows_b, [pos128[g] + diag], vals)

        def write(t, b):
            return pltpu.make_async_copy(
                rows[b], out_hbm.at[pl.ds((base + t * CH) * D, CH * D)], wsems[b]
            )

        def round_body(r, carry):
            t0 = r * NBUF
            for b in range(NBUF):
                t = t0 + b

                @pl.when(r > 0)
                def _():
                    write(t - NBUF, b).wait()

                build(t, rows[b])
                write(t, b).start()
            return carry

        lax.fori_loop(0, rounds, round_body, 0)

        for b in range(NBUF):
            write(iters - NBUF + b, b).wait()

    return k(ids, table_flat)


def kernel(modality_ids, embedding_table):
    Bb, S = modality_ids.shape
    V, D = embedding_table.shape
    B = Bb * S
    ids = modality_ids.reshape(B).astype(jnp.int32)
    out = _sc_lookup(ids, embedding_table.reshape(V * D), B, D)
    return out.reshape(Bb, S, D)

# --- scband reference (transcript-rebuilt; emitter-appended) ---
"""Pipeline reference for scband-modality-embedding-11390253269593 (READ-ONLY COPY).

The authoritative reference and input builder live on the scoring server;
editing this copy changes nothing except your own understanding.
"""

import jax, jax.numpy as jnp
import numpy as np

NUM_MODALITIES = 5
HIDDEN_SIZE = 128
BATCH = 4096
SEQ_LEN = 200


def setup_inputs(seed: int = 0) -> dict:
    key = jax.random.key(seed)
    k_idx, k_emb = jax.random.split(key)
    modality_ids = jax.random.randint(k_idx, (BATCH, SEQ_LEN), 0, NUM_MODALITIES, dtype=jnp.int64 if jax.config.jax_enable_x64 else jnp.int32)
    embedding_table = jax.random.normal(k_emb, (NUM_MODALITIES, HIDDEN_SIZE), dtype=jnp.float32)
    return {"modality_ids": modality_ids, "embedding_table": embedding_table}


def reference(modality_ids, embedding_table):
    # nn.Embedding forward: gather rows of the table by index.
    embeddings = jnp.take(embedding_table, modality_ids, axis=0)
    return embeddings

if __name__ == "__main__":
    import jax
    _d = setup_inputs()
    print(jax.jit(kernel)(*tuple(_d.values())))

</pallas_src>

<mosaic_0001>
#map = affine_map<(d0, d1) -> (0)>
module attributes {stable_mosaic.version = 14 : i64} {
  func.func @k(%arg0: i32, %arg1: i32, %arg2: memref<819200xi32, #tpu.memory_space<hbm>>, %arg3: memref<640xf32, #tpu.memory_space<hbm>>, %arg4: memref<104857600xf32, #tpu.memory_space<hbm>>, %arg5: memref<25600xi32, #tpu.memory_space<vmem>>, %arg6: memref<640xf32, #tpu.memory_space<vmem>>, %arg7: memref<32768xf32, #tpu.memory_space<vmem>>, %arg8: memref<32768xf32, #tpu.memory_space<vmem>>, %arg9: memref<!tpu.dma_semaphore, #tpu.memory_space<semaphore_mem>>, %arg10: memref<!tpu.dma_semaphore, #tpu.memory_space<semaphore_mem>>, %arg11: memref<!tpu.dma_semaphore, #tpu.memory_space<semaphore_mem>>) attributes {dimension_semantics = [#tpu.dimension_semantics<core_parallel>, #tpu.dimension_semantics<subcore_parallel>], iteration_bounds = array<i64: 2, 16>, scalar_prefetch = 0 : i64, scratch_operands = 7 : i64, tpu.core_type = #tpu.core_type<sc_vector_subcore>, window_params = [{transform_indices = #map}, {transform_indices = #map}, {transform_indices = #map}]} {
    %mul3A = arith.constant 2 : i32
    %mul3A_0 = arith.muli %arg1, %mul3A : i32
    %add3A = arith.addi %mul3A_0, %arg0 : i32
    %mul3A_1 = arith.constant 25600 : i32
    %mul3A_2 = arith.muli %add3A, %mul3A_1 : i32
    "tpu.region"() ({
      %run_scoped3A = tpu.sem_alloc : memref<!tpu.dma_semaphore, #tpu.memory_space<semaphore_mem>>
      tpu.enqueue_dma source(%arg3 : memref<640xf32, #tpu.memory_space<hbm>>) target(%arg6 : memref<640xf32, #tpu.memory_space<vmem>>) target_semaphore(%run_scoped3A : memref<!tpu.dma_semaphore, #tpu.memory_space<semaphore_mem>>)
      tpu.wait_dma2 semaphore(%run_scoped3A : memref<!tpu.dma_semaphore, #tpu.memory_space<semaphore_mem>>) src(%arg3 : memref<640xf32, #tpu.memory_space<hbm>>) dst(%arg6 : memref<640xf32, #tpu.memory_space<vmem>>)
      tpu.yield
    }) : () -> ()
    %dma_start3A = tpu.memref_slice %arg2[%mul3A_2] : memref<819200xi32, #tpu.memory_space<hbm>> -> memref<25600xi32, #tpu.memory_space<hbm>>
    %dma_start3A_3 = tpu.memref_slice %arg2[%mul3A_2] : memref<819200xi32, #tpu.memory_space<hbm>> -> memref<25600xi32, #tpu.memory_space<hbm>>
    tpu.enqueue_dma source(%dma_start3A_3 : memref<25600xi32, #tpu.memory_space<hbm>>) target(%arg5 : memref<25600xi32, #tpu.memory_space<vmem>>) target_semaphore(%arg9 : memref<!tpu.dma_semaphore, #tpu.memory_space<semaphore_mem>>)
    %dma_wait3A = tpu.memref_slice %arg2[%mul3A_2] : memref<819200xi32, #tpu.memory_space<hbm>> -> memref<25600xi32, #tpu.memory_space<hbm>>
    %dma_wait3A_4 = tpu.memref_slice %arg2[%mul3A_2] : memref<819200xi32, #tpu.memory_space<hbm>> -> memref<25600xi32, #tpu.memory_space<hbm>>
    tpu.wait_dma2 semaphore(%arg9 : memref<!tpu.dma_semaphore, #tpu.memory_space<semaphore_mem>>) src(%dma_wait3A_4 : memref<25600xi32, #tpu.memory_space<hbm>>) dst(%arg5 : memref<25600xi32, #tpu.memory_space<vmem>>)
    %iota3A = tpu.iota {dimensions = array<i32: 0>} : vector<16xi32>
    %add3A_5 = arith.constant 0 : i32
    %add3A_6 = vector.broadcast %add3A_5 : i32 to vector<16xi32>
    %add3A_7 = arith.addi %add3A_6, %iota3A : vector<16xi32>
    %mul3A_8 = arith.constant 128 : i32
    %mul3A_9 = vector.broadcast %mul3A_8 : i32 to vector<16xi32>
    %mul3A_10 = arith.muli %add3A_7, %mul3A_9 : vector<16xi32>
    %add3A_11 = arith.constant 16 : i32
    %add3A_12 = vector.broadcast %add3A_11 : i32 to vector<16xi32>
    %add3A_13 = arith.addi %add3A_12, %iota3A : vector<16xi32>
    %mul3A_14 = arith.constant 128 : i32
    %mul3A_15 = vector.broadcast %mul3A_14 : i32 to vector<16xi32>
    %mul3A_16 = arith.muli %add3A_13, %mul3A_15 : vector<16xi32>
    %add3A_17 = arith.constant 32 : i32
    %add3A_18 = vector.broadcast %add3A_17 : i32 to vector<16xi32>
    %add3A_19 = arith.addi %add3A_18, %iota3A : vector<16xi32>
    %mul3A_20 = arith.constant 128 : i32
    %mul3A_21 = vector.broadcast %mul3A_20 : i32 to vector<16xi32>
    %mul3A_22 = arith.muli %add3A_19, %mul3A_21 : vector<16xi32>
    %add3A_23 = arith.constant 48 : i32
    %add3A_24 = vector.broadcast %add3A_23 : i32 to vector<16xi32>
    %add3A_25 = arith.addi %add3A_24, %iota3A : vector<16xi32>
    %mul3A_26 = arith.constant 128 : i32
    %mul3A_27 = vector.broadcast %mul3A_26 : i32 to vector<16xi32>
    %mul3A_28 = arith.muli %add3A_25, %mul3A_27 : vector<16xi32>
    %add3A_29 = arith.constant 64 : i32
    %add3A_30 = vector.broadcast %add3A_29 : i32 to vector<16xi32>
    %add3A_31 = arith.addi %add3A_30, %iota3A : vector<16xi32>
    %mul3A_32 = arith.constant 128 : i32
    %mul3A_33 = vector.broadcast %mul3A_32 : i32 to vector<16xi32>
    %mul3A_34 = arith.muli %add3A_31, %mul3A_33 : vector<16xi32>
    %add3A_35 = arith.constant 80 : i32
    %add3A_36 = vector.broadcast %add3A_35 : i32 to vector<16xi32>
    %add3A_37 = arith.addi %add3A_36, %iota3A : vector<16xi32>
    %mul3A_38 = arith.constant 128 : i32
    %mul3A_39 = vector.broadcast %mul3A_38 : i32 to vector<16xi32>
    %mul3A_40 = arith.muli %add3A_37, %mul3A_39 : vector<16xi32>
    %add3A_41 = arith.constant 96 : i32
    %add3A_42 = vector.broadcast %add3A_41 : i32 to vector<16xi32>
    %add3A_43 = arith.addi %add3A_42, %iota3A : vector<16xi32>
    %mul3A_44 = arith.constant 128 : i32
    %mul3A_45 = vector.broadcast %mul3A_44 : i32 to vector<16xi32>
    %mul3A_46 = arith.muli %add3A_43, %mul3A_45 : vector<16xi32>
    %add3A_47 = arith.constant 112 : i32
    %add3A_48 = vector.broadcast %add3A_47 : i32 to vector<16xi32>
    %add3A_49 = arith.addi %add3A_48, %iota3A : vector<16xi32>
    %mul3A_50 = arith.constant 128 : i32
    %mul3A_51 = vector.broadcast %mul3A_50 : i32 to vector<16xi32>
    %mul3A_52 = arith.muli %add3A_49, %mul3A_51 : vector<16xi32>
    %add3A_53 = arith.constant 128 : i32
    %add3A_54 = vector.broadcast %add3A_53 : i32 to vector<16xi32>
    %add3A_55 = arith.addi %add3A_54, %iota3A : vector<16xi32>
    %mul3A_56 = arith.constant 128 : i32
    %mul3A_57 = vector.broadcast %mul3A_56 : i32 to vector<16xi32>
    %mul3A_58 = arith.muli %add3A_55, %mul3A_57 : vector<16xi32>
    %add3A_59 = arith.constant 144 : i32
    %add3A_60 = vector.broadcast %add3A_59 : i32 to vector<16xi32>
    %add3A_61 = arith.addi %add3A_60, %iota3A : vector<16xi32>
    %mul3A_62 = arith.constant 128 : i32
    %mul3A_63 = vector.broadcast %mul3A_62 : i32 to vector<16xi32>
    %mul3A_64 = arith.muli %add3A_61, %mul3A_63 : vector<16xi32>
    %add3A_65 = arith.constant 160 : i32
    %add3A_66 = vector.broadcast %add3A_65 : i32 to vector<16xi32>
    %add3A_67 = arith.addi %add3A_66, %iota3A : vector<16xi32>
    %mul3A_68 = arith.constant 128 : i32
    %mul3A_69 = vector.broadcast %mul3A_68 : i32 to vector<16xi32>
    %mul3A_70 = arith.muli %add3A_67, %mul3A_69 : vector<16xi32>
    %add3A_71 = arith.constant 176 : i32
    %add3A_72 = vector.broadcast %add3A_71 : i32 to vector<16xi32>
    %add3A_73 = arith.addi %add3A_72, %iota3A : vector<16xi32>
    %mul3A_74 = arith.constant 128 : i32
    %mul3A_75 = vector.broadcast %mul3A_74 : i32 to vector<16xi32>
    %mul3A_76 = arith.muli %add3A_73, %mul3A_75 : vector<16xi32>
    %add3A_77 = arith.constant 192 : i32
    %add3A_78 = vector.broadcast %add3A_77 : i32 to vector<16xi32>
    %add3A_79 = arith.addi %add3A_78, %iota3A : vector<16xi32>
    %mul3A_80 = arith.constant 128 : i32
    %mul3A_81 = vector.broadcast %mul3A_80 : i32 to vector<16xi32>
    %mul3A_82 = arith.muli %add3A_79, %mul3A_81 : vector<16xi32>
    %add3A_83 = arith.constant 208 : i32
    %add3A_84 = vector.broadcast %add3A_83 : i32 to vector<16xi32>
    %add3A_85 = arith.addi %add3A_84, %iota3A : vector<16xi32>
    %mul3A_86 = arith.constant 128 : i32
    %mul3A_87 = vector.broadcast %mul3A_86 : i32 to vector<16xi32>
    %mul3A_88 = arith.muli %add3A_85, %mul3A_87 : vector<16xi32>
    %add3A_89 = arith.constant 224 : i32
    %add3A_90 = vector.broadcast %add3A_89 : i32 to vector<16xi32>
    %add3A_91 = arith.addi %add3A_90, %iota3A : vector<16xi32>
    %mul3A_92 = arith.constant 128 : i32
    %mul3A_93 = vector.broadcast %mul3A_92 : i32 to vector<16xi32>
    %mul3A_94 = arith.muli %add3A_91, %mul3A_93 : vector<16xi32>
    %add3A_95 = arith.constant 240 : i32
    %add3A_96 = vector.broadcast %add3A_95 : i32 to vector<16xi32>
    %add3A_97 = arith.addi %add3A_96, %iota3A : vector<16xi32>
    %mul3A_98 = arith.constant 128 : i32
    %mul3A_99 = vector.broadcast %mul3A_98 : i32 to vector<16xi32>
    %mul3A_100 = arith.muli %add3A_97, %mul3A_99 : vector<16xi32>
    %scan3A = arith.constant 0 : i32
    %scan3A_101 = arith.constant 0 : i32
    %scan3A_102 = arith.constant 50 : i32
    %scan3A_103 = arith.addi %scan3A_101, %scan3A_102 : i32
    %scan3A_104 = arith.constant 1 : i32
    scf.for %scan3A_118 = %scan3A_101 to %scan3A_103 step %scan3A_104  : i32 {
      %mul3A_119 = arith.constant 2 : i32
      %mul3A_120 = arith.muli %scan3A_118, %mul3A_119 : i32
      %add3A_121 = arith.constant 0 : i32
      %add3A_122 = arith.addi %mul3A_120, %add3A_121 : i32
      %gt3A = arith.constant 0 : i32
      %gt3A_123 = arith.cmpi sgt, %scan3A_118, %gt3A : i32
      %convert_element_type3A = arith.extui %gt3A_123 : i1 to i32
      %cond3A = arith.constant 0 : i32
      %cond3A_124 = arith.cmpi ne, %convert_element_type3A, %cond3A : i32
      scf.if %cond3A_124 {
        %sub3A = arith.constant 2 : i32
        %sub3A_438 = arith.subi %add3A_122, %sub3A : i32
        %mul3A_439 = arith.constant 256 : i32
        %mul3A_440 = arith.muli %sub3A_438, %mul3A_439 : i32
        %add3A_441 = arith.addi %mul3A_2, %mul3A_440 : i32
        %mul3A_442 = arith.constant 128 : i32
        %mul3A_443 = arith.muli %add3A_441, %mul3A_442 : i32
        %dma_wait3A_444 = tpu.memref_slice %arg4[%mul3A_443] : memref<104857600xf32, #tpu.memory_space<hbm>> -> memref<32768xf32, #tpu.memory_space<hbm>>
        %dma_wait3A_445 = tpu.memref_slice %arg4[%mul3A_443] : memref<104857600xf32, #tpu.memory_space<hbm>> -> memref<32768xf32, #tpu.memory_space<hbm>>
        tpu.wait_dma2 semaphore(%arg10 : memref<!tpu.dma_semaphore, #tpu.memory_space<semaphore_mem>>) src(%arg7 : memref<32768xf32, #tpu.memory_space<vmem>>) dst(%dma_wait3A_445 : memref<32768xf32, #tpu.memory_space<hbm>>)
      } else {
      }
      %mul3A_125 = arith.constant 256 : i32
      %mul3A_126 = arith.muli %add3A_122, %mul3A_125 : i32
      %add3A_127 = arith.constant 0 : i32
      %add3A_128 = arith.addi %mul3A_126, %add3A_127 : i32
      %get3A = arith.index_cast %add3A_128 : i32 to index
      %get3A_129 = tpu.vector_load %arg5[%get3A] {strides = array<i32>} : memref<25600xi32, #tpu.memory_space<vmem>>, vector<16xi32>,
      %mul3A_130 = arith.constant 128 : i32
      %mul3A_131 = vector.broadcast %mul3A_130 : i32 to vector<16xi32>
      %mul3A_132 = arith.muli %get3A_129, %mul3A_131 : vector<16xi32>
      %mul3A_133 = arith.constant 256 : i32
      %mul3A_134 = arith.muli %add3A_122, %mul3A_133 : i32
      %add3A_135 = arith.constant 16 : i32
      %add3A_136 = arith.addi %mul3A_134, %add3A_135 : i32
      %get3A_137 = arith.index_cast %add3A_136 : i32 to index
      %get3A_138 = tpu.vector_load %arg5[%get3A_137] {strides = array<i32>} : memref<25600xi32, #tpu.memory_space<vmem>>, vector<16xi32>,
      %mul3A_139 = arith.constant 128 : i32
      %mul3A_140 = vector.broadcast %mul3A_139 : i32 to vector<16xi32>
      %mul3A_141 = arith.muli %get3A_138, %mul3A_140 : vector<16xi32>
      %mul3A_142 = arith.constant 256 : i32
      %mul3A_143 = arith.muli %add3A_122, %mul3A_142 : i32
      %add3A_144 = arith.constant 32 : i32
      %add3A_145 = arith.addi %mul3A_143, %add3A_144 : i32
      %get3A_146 = arith.index_cast %add3A_145 : i32 to index
      %get3A_147 = tpu.vector_load %arg5[%get3A_146] {strides = array<i32>} : memref<25600xi32, #tpu.memory_space<vmem>>, vector<16xi32>,
      %mul3A_148 = arith.constant 128 : i32
      %mul3A_149 = vector.broadcast %mul3A_148 : i32 to vector<16xi32>
      %mul3A_150 = arith.muli %get3A_147, %mul3A_149 : vector<16xi32>
      %mul3A_151 = arith.constant 256 : i32
      %mul3A_152 = arith.muli %add3A_122, %mul3A_151 : i32
      %add3A_153 = arith.constant 48 : i32
      %add3A_154 = arith.addi %mul3A_152, %add3A_153 : i32
      %get3A_155 = arith.index_cast %add3A_154 : i32 to index
      %get3A_156 = tpu.vector_load %arg5[%get3A_155] {strides = array<i32>} : memref<25600xi32, #tpu.memory_space<vmem>>, vector<16xi32>,
      %mul3A_157 = arith.constant 128 : i32
      %mul3A_158 = vector.broadcast %mul3A_157 : i32 to vector<16xi32>
      %mul3A_159 = arith.muli %get3A_156, %mul3A_158 : vector<16xi32>
      %mul3A_160 = arith.constant 256 : i32
      %mul3A_161 = arith.muli %add3A_122, %mul3A_160 : i32
      %add3A_162 = arith.constant 64 : i32
      %add3A_163 = arith.addi %mul3A_161, %add3A_162 : i32
      %get3A_164 = arith.index_cast %add3A_163 : i32 to index
      %get3A_165 = tpu.vector_load %arg5[%get3A_164] {strides = array<i32>} : memref<25600xi32, #tpu.memory_space<vmem>>, vector<16xi32>,
      %mul3A_166 = arith.constant 128 : i32
      %mul3A_167 = vector.broadcast %mul3A_166 : i32 to vector<16xi32>
      %mul3A_168 = arith.muli %get3A_165, %mul3A_167 : vector<16xi32>
      %mul3A_169 = arith.constant 256 : i32
      %mul3A_170 = arith.muli %add3A_122, %mul3A_169 : i32
      %add3A_171 = arith.constant 80 : i32
      %add3A_172 = arith.addi %mul3A_170, %add3A_171 : i32
      %get3A_173 = arith.index_cast %add3A_172 : i32 to index
      %get3A_174 = tpu.vector_load %arg5[%get3A_173] {strides = array<i32>} : memref<25600xi32, #tpu.memory_space<vmem>>, vector<16xi32>,
      %mul3A_175 = arith.constant 128 : i32
      %mul3A_176 = vector.broadcast %mul3A_175 : i32 to vector<16xi32>
      %mul3A_177 = arith.muli %get3A_174, %mul3A_176 : vector<16xi32>
      %mul3A_178 = arith.constant 256 : i32
      %mul3A_179 = arith.muli %add3A_122, %mul3A_178 : i32
      %add3A_180 = arith.constant 96 : i32
      %add3A_181 = arith.addi %mul3A_179, %add3A_180 : i32
      %get3A_182 = arith.index_cast %add3A_181 : i32 to index
      %get3A_183 = tpu.vector_load %arg5[%get3A_182] {strides = array<i32>} : memref<25600xi32, #tpu.memory_space<vmem>>, vector<16xi32>,
      %mul3A_184 = arith.constant 128 : i32
      %mul3A_185 = vector.broadcast %mul3A_184 : i32 to vector<16xi32>
      %mul3A_186 = arith.muli %get3A_183, %mul3A_185 : vector<16xi32>
      %mul3A_187 = arith.constant 256 : i32
      %mul3A_188 = arith.muli %add3A_122, %mul3A_187 : i32
      %add3A_189 = arith.constant 112 : i32
      %add3A_190 = arith.addi %mul3A_188, %add3A_189 : i32
      %get3A_191 = arith.index_cast %add3A_190 : i32 to index
      %get3A_192 = tpu.vector_load %arg5[%get3A_191] {strides = array<i32>} : memref<25600xi32, #tpu.memory_space<vmem>>, vector<16xi32>,
      %mul3A_193 = arith.constant 128 : i32
      %mul3A_194 = vector.broadcast %mul3A_193 : i32 to vector<16xi32>
      %mul3A_195 = arith.muli %get3A_192, %mul3A_194 : vector<16xi32>
      %mul3A_196 = arith.constant 256 : i32
      %mul3A_197 = arith.muli %add3A_122, %mul3A_196 : i32
      %add3A_198 = arith.constant 128 : i32
      %add3A_199 = arith.addi %mul3A_197, %add3A_198 : i32
      %get3A_200 = arith.index_cast %add3A_199 : i32 to index
      %get3A_201 = tpu.vector_load %arg5[%get3A_200] {strides = array<i32>} : memref<25600xi32, #tpu.memory_space<vmem>>, vector<16xi32>,
      %mul3A_202 = arith.constant 128 : i32
      %mul3A_203 = vector.broadcast %mul3A_202 : i32 to vector<16xi32>
      %mul3A_204 = arith.muli %get3A_201, %mul3A_203 : vector<16xi32>
      %mul3A_205 = arith.constant 256 : i32
      %mul3A_206 = arith.muli %add3A_122, %mul3A_205 : i32
      %add3A_207 = arith.constant 144 : i32
      %add3A_208 = arith.addi %mul3A_206, %add3A_207 : i32
      %get3A_209 = arith.index_cast %add3A_208 : i32 to index
      %get3A_210 = tpu.vector_load %arg5[%get3A_209] {strides = array<i32>} : memref<25600xi32, #tpu.memory_space<vmem>>, vector<16xi32>,
      %mul3A_211 = arith.constant 128 : i32
      %mul3A_212 = vector.broadcast %mul3A_211 : i32 to vector<16xi32>
      %mul3A_213 = arith.muli %get3A_210, %mul3A_212 : vector<16xi32>
      %mul3A_214 = arith.constant 256 : i32
      %mul3A_215 = arith.muli %add3A_122, %mul3A_214 : i32
      %add3A_216 = arith.constant 160 : i32
      %add3A_217 = arith.addi %mul3A_215, %add3A_216 : i32
      %get3A_218 = arith.index_cast %add3A_217 : i32 to index
      %get3A_219 = tpu.vector_load %arg5[%get3A_218] {strides = array<i32>} : memref<25600xi32, #tpu.memory_space<vmem>>, vector<16xi32>,
      %mul3A_220 = arith.constant 128 : i32
      %mul3A_221 = vector.broadcast %mul3A_220 : i32 to vector<16xi32>
      %mul3A_222 = arith.muli %get3A_219, %mul3A_221 : vector<16xi32>
      %mul3A_223 = arith.constant 256 : i32
      %mul3A_224 = arith.muli %add3A_122, %mul3A_223 : i32
      %add3A_225 = arith.constant 176 : i32
      %add3A_226 = arith.addi %mul3A_224, %add3A_225 : i32
      %get3A_227 = arith.index_cast %add3A_226 : i32 to index
      %get3A_228 = tpu.vector_load %arg5[%get3A_227] {strides = array<i32>} : memref<25600xi32, #tpu.memory_space<vmem>>, vector<16xi32>,
      %mul3A_229 = arith.constant 128 : i32
      %mul3A_230 = vector.broadcast %mul3A_229 : i32 to vector<16xi32>
      %mul3A_231 = arith.muli %get3A_228, %mul3A_230 : vector<16xi32>
      %mul3A_232 = arith.constant 256 : i32
      %mul3A_233 = arith.muli %add3A_122, %mul3A_232 : i32
      %add3A_234 = arith.constant 192 : i32
      %add3A_235 = arith.addi %mul3A_233, %add3A_234 : i32
      %get3A_236 = arith.index_cast %add3A_235 : i32 to index
      %get3A_237 = tpu.vector_load %arg5[%get3A_236] {strides = array<i32>} : memref<25600xi32, #tpu.memory_space<vmem>>, vector<16xi32>,
      %mul3A_238 = arith.constant 128 : i32
      %mul3A_239 = vector.broadcast %mul3A_238 : i32 to vector<16xi32>
      %mul3A_240 = arith.muli %get3A_237, %mul3A_239 : vector<16xi32>
      %mul3A_241 = arith.constant 256 : i32
      %mul3A_242 = arith.muli %add3A_122, %mul3A_241 : i32
      %add3A_243 = arith.constant 208 : i32
      %add3A_244 = arith.addi %mul3A_242, %add3A_243 : i32
      %get3A_245 = arith.index_cast %add3A_244 : i32 to index
      %get3A_246 = tpu.vector_load %arg5[%get3A_245] {strides = array<i32>} : memref<25600xi32, #tpu.memory_space<vmem>>, vector<16xi32>,
      %mul3A_247 = arith.constant 128 : i32
      %mul3A_248 = vector.broadcast %mul3A_247 : i32 to vector<16xi32>
      %mul3A_249 = arith.muli %get3A_246, %mul3A_248 : vector<16xi32>
      %mul3A_250 = arith.constant 256 : i32
      %mul3A_251 = arith.muli %add3A_122, %mul3A_250 : i32
      %add3A_252 = arith.constant 224 : i32
      %add3A_253 = arith.addi %mul3A_251, %add3A_252 : i32
      %get3A_254 = arith.index_cast %add3A_253 : i32 to index
      %get3A_255 = tpu.vector_load %arg5[%get3A_254] {strides = array<i32>} : memref<25600xi32, #tpu.memory_space<vmem>>, vector<16xi32>,
      %mul3A_256 = arith.constant 128 : i32
      %mul3A_257 = vector.broadcast %mul3A_256 : i32 to vector<16xi32>
      %mul3A_258 = arith.muli %get3A_255, %mul3A_257 : vector<16xi32>
      %mul3A_259 = arith.constant 256 : i32
      %mul3A_260 = arith.muli %add3A_122, %mul3A_259 : i32
      %add3A_261 = arith.constant 240 : i32
      %add3A_262 = arith.addi %mul3A_260, %add3A_261 : i32
      %get3A_263 = arith.index_cast %add3A_262 : i32 to index
      %get3A_264 = tpu.vector_load %arg5[%get3A_263] {strides = array<i32>} : memref<25600xi32, #tpu.memory_space<vmem>>, vector<16xi32>,
      %mul3A_265 = arith.constant 128 : i32
      %mul3A_266 = vector.broadcast %mul3A_265 : i32 to vector<16xi32>
      %mul3A_267 = arith.muli %get3A_264, %mul3A_266 : vector<16xi32>
      %parallel_loop3A = arith.constant 0 : i32
      %parallel_loop3A_268 = arith.constant 128 : i32
      %parallel_loop3A_269 = arith.constant 1 : i32
      scf.for %parallel_loop3A_438 = %parallel_loop3A to %parallel_loop3A_268 step %parallel_loop3A_269  : i32 {
        %parallel_loop3A_439 = vector.broadcast %parallel_loop3A_438 : i32 to vector<16xi32>
        %parallel_loop3A_440 = arith.addi %iota3A, %parallel_loop3A_439 : vector<16xi32>
        %parallel_loop3A_441 = arith.constant 127 : i32
        %parallel_loop3A_442 = vector.broadcast %parallel_loop3A_441 : i32 to vector<16xi32>
        %parallel_loop3A_443 = arith.andi %parallel_loop3A_440, %parallel_loop3A_442 : vector<16xi32>
        %parallel_loop3A_444 = arith.addi %mul3A_132, %parallel_loop3A_443 : vector<16xi32>
        %parallel_loop3A_445 = tpu.vector_load_idx %arg6[%parallel_loop3A_444] : memref<640xf32, #tpu.memory_space<vmem>>[vector<16xi32>], vector<16xf32>,
        %parallel_loop3A_446 = arith.addi %mul3A_10, %parallel_loop3A_443 : vector<16xi32>
        tpu.vector_store_idx %arg7[%parallel_loop3A_446], %parallel_loop3A_445 : memref<32768xf32, #tpu.memory_space<vmem>>[vector<16xi32>], vector<16xf32>,
        %parallel_loop3A_447 = arith.addi %mul3A_141, %parallel_loop3A_443 : vector<16xi32>
        %parallel_loop3A_448 = tpu.vector_load_idx %arg6[%parallel_loop3A_447] : memref<640xf32, #tpu.memory_space<vmem>>[vector<16xi32>], vector<16xf32>,
        %parallel_loop3A_449 = arith.addi %mul3A_16, %parallel_loop3A_443 : vector<16xi32>
        tpu.vector_store_idx %arg7[%parallel_loop3A_449], %parallel_loop3A_448 : memref<32768xf32, #tpu.memory_space<vmem>>[vector<16xi32>], vector<16xf32>,
        %parallel_loop3A_450 = arith.addi %mul3A_150, %parallel_loop3A_443 : vector<16xi32>
        %parallel_loop3A_451 = tpu.vector_load_idx %arg6[%parallel_loop3A_450] : memref<640xf32, #tpu.memory_space<vmem>>[vector<16xi32>], vector<16xf32>,
        %parallel_loop3A_452 = arith.addi %mul3A_22, %parallel_loop3A_443 : vector<16xi32>
        tpu.vector_store_idx %arg7[%parallel_loop3A_452], %parallel_loop3A_451 : memref<32768xf32, #tpu.memory_space<vmem>>[vector<16xi32>], vector<16xf32>,
        %parallel_loop3A_453 = arith.addi %mul3A_159, %parallel_loop3A_443 : vector<16xi32>
        %parallel_loop3A_454 = tpu.vector_load_idx %arg6[%parallel_loop3A_453] : memref<640xf32, #tpu.memory_space<vmem>>[vector<16xi32>], vector<16xf32>,
        %parallel_loop3A_455 = arith.addi %mul3A_28, %parallel_loop3A_443 : vector<16xi32>
        tpu.vector_store_idx %arg7[%parallel_loop3A_455], %parallel_loop3A_454 : memref<32768xf32, #tpu.memory_space<vmem>>[vector<16xi32>], vector<16xf32>,
        %parallel_loop3A_456 = arith.addi %mul3A_168, %parallel_loop3A_443 : vector<16xi32>
        %parallel_loop3A_457 = tpu.vector_load_idx %arg6[%parallel_loop3A_456] : memref<640xf32, #tpu.memory_space<vmem>>[vector<16xi32>], vector<16xf32>,
        %parallel_loop3A_458 = arith.addi %mul3A_34, %parallel_loop3A_443 : vector<16xi32>
        tpu.vector_store_idx %arg7[%parallel_loop3A_458], %parallel_loop3A_457 : memref<32768xf32, #tpu.memory_space<vmem>>[vector<16xi32>], vector<16xf32>,
        %parallel_loop3A_459 = arith.addi %mul3A_177, %parallel_loop3A_443 : vector<16xi32>
        %parallel_loop3A_460 = tpu.vector_load_idx %arg6[%parallel_loop3A_459] : memref<640xf32, #tpu.memory_space<vmem>>[vector<16xi32>], vector<16xf32>,
        %parallel_loop3A_461 = arith.addi %mul3A_40, %parallel_loop3A_443 : vector<16xi32>
        tpu.vector_store_idx %arg7[%parallel_loop3A_461], %parallel_loop3A_460 : memref<32768xf32, #tpu.memory_space<vmem>>[vector<16xi32>], vector<16xf32>,
        %parallel_loop3A_462 = arith.addi %mul3A_186, %parallel_loop3A_443 : vector<16xi32>
        %parallel_loop3A_463 = tpu.vector_load_idx %arg6[%parallel_loop3A_462] : memref<640xf32, #tpu.memory_space<vmem>>[vector<16xi32>], vector<16xf32>,
        %parallel_loop3A_464 = arith.addi %mul3A_46, %parallel_loop3A_443 : vector<16xi32>
        tpu.vector_store_idx %arg7[%parallel_loop3A_464], %parallel_loop3A_463 : memref<32768xf32, #tpu.memory_space<vmem>>[vector<16xi32>], vector<16xf32>,
        %parallel_loop3A_465 = arith.addi %mul3A_195, %parallel_loop3A_443 : vector<16xi32>
        %parallel_loop3A_466 = tpu.vector_load_idx %arg6[%parallel_loop3A_465] : memref<640xf32, #tpu.memory_space<vmem>>[vector<16xi32>], vector<16xf32>,
        %parallel_loop3A_467 = arith.addi %mul3A_52, %parallel_loop3A_443 : vector<16xi32>
        tpu.vector_store_idx %arg7[%parallel_loop3A_467], %parallel_loop3A_466 : memref<32768xf32, #tpu.memory_space<vmem>>[vector<16xi32>], vector<16xf32>,
        %parallel_loop3A_468 = arith.addi %mul3A_204, %parallel_loop3A_443 : vector<16xi32>
        %parallel_loop3A_469 = tpu.vector_load_idx %arg6[%parallel_loop3A_468] : memref<640xf32, #tpu.memory_space<vmem>>[vector<16xi32>], vector<16xf32>,
        %parallel_loop3A_470 = arith.addi %mul3A_58, %parallel_loop3A_443 : vector<16xi32>
        tpu.vector_store_idx %arg7[%parallel_loop3A_470], %parallel_loop3A_469 : memref<32768xf32, #tpu.memory_space<vmem>>[vector<16xi32>], vector<16xf32>,
        %parallel_loop3A_471 = arith.addi %mul3A_213, %parallel_loop3A_443 : vector<16xi32>
        %parallel_loop3A_472 = tpu.vector_load_idx %arg6[%parallel_loop3A_471] : memref<640xf32, #tpu.memory_space<vmem>>[vector<16xi32>], vector<16xf32>,
        %parallel_loop3A_473 = arith.addi %mul3A_64, %parallel_loop3A_443 : vector<16xi32>
        tpu.vector_store_idx %arg7[%parallel_loop3A_473], %parallel_loop3A_472 : memref<32768xf32, #tpu.memory_space<vmem>>[vector<16xi32>], vector<16xf32>,
        %parallel_loop3A_474 = arith.addi %mul3A_222, %parallel_loop3A_443 : vector<16xi32>
        %parallel_loop3A_475 = tpu.vector_load_idx %arg6[%parallel_loop3A_474] : memref<640xf32, #tpu.memory_space<vmem>>[vector<16xi32>], vector<16xf32>,
        %parallel_loop3A_476 = arith.addi %mul3A_70, %parallel_loop3A_443 : vector<16xi32>
        tpu.vector_store_idx %arg7[%parallel_loop3A_476], %parallel_loop3A_475 : memref<32768xf32, #tpu.memory_space<vmem>>[vector<16xi32>], vector<16xf32>,
        %parallel_loop3A_477 = arith.addi %mul3A_231, %parallel_loop3A_443 : vector<16xi32>
        %parallel_loop3A_478 = tpu.vector_load_idx %arg6[%parallel_loop3A_477] : memref<640xf32, #tpu.memory_space<vmem>>[vector<16xi32>], vector<16xf32>,
        %parallel_loop3A_479 = arith.addi %mul3A_76, %parallel_loop3A_443 : vector<16xi32>
        tpu.vector_store_idx %arg7[%parallel_loop3A_479], %parallel_loop3A_478 : memref<32768xf32, #tpu.memory_space<vmem>>[vector<16xi32>], vector<16xf32>,
        %parallel_loop3A_480 = arith.addi %mul3A_240, %parallel_loop3A_443 : vector<16xi32>
        %parallel_loop3A_481 = tpu.vector_load_idx %arg6[%parallel_loop3A_480] : memref<640xf32, #tpu.memory_space<vmem>>[vector<16xi32>], vector<16xf32>,
        %parallel_loop3A_482 = arith.addi %mul3A_82, %parallel_loop3A_443 : vector<16xi32>
        tpu.vector_store_idx %arg7[%parallel_loop3A_482], %parallel_loop3A_481 : memref<32768xf32, #tpu.memory_space<vmem>>[vector<16xi32>], vector<16xf32>,
        %parallel_loop3A_483 = arith.addi %mul3A_249, %parallel_loop3A_443 : vector<16xi32>
        %parallel_loop3A_484 = tpu.vector_load_idx %arg6[%parallel_loop3A_483] : memref<640xf32, #tpu.memory_space<vmem>>[vector<16xi32>], vector<16xf32>,
        %parallel_loop3A_485 = arith.addi %mul3A_88, %parallel_loop3A_443 : vector<16xi32>
        tpu.vector_store_idx %arg7[%parallel_loop3A_485], %parallel_loop3A_484 : memref<32768xf32, #tpu.memory_space<vmem>>[vector<16xi32>], vector<16xf32>,
        %parallel_loop3A_486 = arith.addi %mul3A_258, %parallel_loop3A_443 : vector<16xi32>
        %parallel_loop3A_487 = tpu.vector_load_idx %arg6[%parallel_loop3A_486] : memref<640xf32, #tpu.memory_space<vmem>>[vector<16xi32>], vector<16xf32>,
        %parallel_loop3A_488 = arith.addi %mul3A_94, %parallel_loop3A_443 : vector<16xi32>
        tpu.vector_store_idx %arg7[%parallel_loop3A_488], %parallel_loop3A_487 : memref<32768xf32, #tpu.memory_space<vmem>>[vector<16xi32>], vector<16xf32>,
        %parallel_loop3A_489 = arith.addi %mul3A_267, %parallel_loop3A_443 : vector<16xi32>
        %parallel_loop3A_490 = tpu.vector_load_idx %arg6[%parallel_loop3A_489] : memref<640xf32, #tpu.memory_space<vmem>>[vector<16xi32>], vector<16xf32>,
        %parallel_loop3A_491 = arith.addi %mul3A_100, %parallel_loop3A_443 : vector<16xi32>
        tpu.vector_store_idx %arg7[%parallel_loop3A_491], %parallel_loop3A_490 : memref<32768xf32, #tpu.memory_space<vmem>>[vector<16xi32>], vector<16xf32>,
      } {sc.loop_unroll_factor = 8 : i64, sc.parallel_access}
      %mul3A_270 = arith.constant 256 : i32
      %mul3A_271 = arith.muli %add3A_122, %mul3A_270 : i32
      %add3A_272 = arith.addi %mul3A_2, %mul3A_271 : i32
      %mul3A_273 = arith.constant 128 : i32
      %mul3A_274 = arith.muli %add3A_272, %mul3A_273 : i32
      %dma_start3A_275 = tpu.memref_slice %arg4[%mul3A_274] : memref<104857600xf32, #tpu.memory_space<hbm>> -> memref<32768xf32, #tpu.memory_space<hbm>>
      %dma_start3A_276 = tpu.memref_slice %arg4[%mul3A_274] : memref<104857600xf32, #tpu.memory_space<hbm>> -> memref<32768xf32, #tpu.memory_space<hbm>>
      tpu.enqueue_dma source(%arg7 : memref<32768xf32, #tpu.memory_space<vmem>>) target(%dma_start3A_276 : memref<32768xf32, #tpu.memory_space<hbm>>) target_semaphore(%arg10 : memref<!tpu.dma_semaphore, #tpu.memory_space<semaphore_mem>>)
      %add3A_277 = arith.constant 1 : i32
      %add3A_278 = arith.addi %mul3A_120, %add3A_277 : i32
      %gt3A_279 = arith.constant 0 : i32
      %gt3A_280 = arith.cmpi sgt, %scan3A_118, %gt3A_279 : i32
      %convert_element_type3A_281 = arith.extui %gt3A_280 : i1 to i32
      %cond3A_282 = arith.constant 0 : i32
      %cond3A_283 = arith.cmpi ne, %convert_element_type3A_281, %cond3A_282 : i32
      scf.if %cond3A_283 {
        %sub3A = arith.constant 2 : i32
        %sub3A_438 = arith.subi %add3A_278, %sub3A : i32
        %mul3A_439 = arith.constant 256 : i32
        %mul3A_440 = arith.muli %sub3A_438, %mul3A_439 : i32
        %add3A_441 = arith.addi %mul3A_2, %mul3A_440 : i32
        %mul3A_442 = arith.constant 128 : i32
        %mul3A_443 = arith.muli %add3A_441, %mul3A_442 : i32
        %dma_wait3A_444 = tpu.memref_slice %arg4[%mul3A_443] : memref<104857600xf32, #tpu.memory_space<hbm>> -> memref<32768xf32, #tpu.memory_space<hbm>>
        %dma_wait3A_445 = tpu.memref_slice %arg4[%mul3A_443] : memref<104857600xf32, #tpu.memory_space<hbm>> -> memref<32768xf32, #tpu.memory_space<hbm>>
        tpu.wait_dma2 semaphore(%arg11 : memref<!tpu.dma_semaphore, #tpu.memory_space<semaphore_mem>>) src(%arg8 : memref<32768xf32, #tpu.memory_space<vmem>>) dst(%dma_wait3A_445 : memref<32768xf32, #tpu.memory_space<hbm>>)
      } else {
      }
      %mul3A_284 = arith.constant 256 : i32
      %mul3A_285 = arith.muli %add3A_278, %mul3A_284 : i32
      %add3A_286 = arith.constant 0 : i32
      %add3A_287 = arith.addi %mul3A_285, %add3A_286 : i32
      %get3A_288 = arith.index_cast %add3A_287 : i32 to index
      %get3A_289 = tpu.vector_load %arg5[%get3A_288] {strides = array<i32>} : memref<25600xi32, #tpu.memory_space<vmem>>, vector<16xi32>,
      %mul3A_290 = arith.constant 128 : i32
      %mul3A_291 = vector.broadcast %mul3A_290 : i32 to vector<16xi32>
      %mul3A_292 = arith.muli %get3A_289, %mul3A_291 : vector<16xi32>
      %mul3A_293 = arith.constant 256 : i32
      %mul3A_294 = arith.muli %add3A_278, %mul3A_293 : i32
      %add3A_295 = arith.constant 16 : i32
      %add3A_296 = arith.addi %mul3A_294, %add3A_295 : i32
      %get3A_297 = arith.index_cast %add3A_296 : i32 to index
      %get3A_298 = tpu.vector_load %arg5[%get3A_297] {strides = array<i32>} : memref<25600xi32, #tpu.memory_space<vmem>>, vector<16xi32>,
      %mul3A_299 = arith.constant 128 : i32
      %mul3A_300 = vector.broadcast %mul3A_299 : i32 to vector<16xi32>
      %mul3A_301 = arith.muli %get3A_298, %mul3A_300 : vector<16xi32>
      %mul3A_302 = arith.constant 256 : i32
      %mul3A_303 = arith.muli %add3A_278, %mul3A_302 : i32
      %add3A_304 = arith.constant 32 : i32
      %add3A_305 = arith.addi %mul3A_303, %add3A_304 : i32
      %get3A_306 = arith.index_cast %add3A_305 : i32 to index
      %get3A_307 = tpu.vector_load %arg5[%get3A_306] {strides = array<i32>} : memref<25600xi32, #tpu.memory_space<vmem>>, vector<16xi32>,
      %mul3A_308 = arith.constant 128 : i32
      %mul3A_309 = vector.broadcast %mul3A_308 : i32 to vector<16xi32>
      %mul3A_310 = arith.muli %get3A_307, %mul3A_309 : vector<16xi32>
      %mul3A_311 = arith.constant 256 : i32
      %mul3A_312 = arith.muli %add3A_278, %mul3A_311 : i32
      %add3A_313 = arith.constant 48 : i32
      %add3A_314 = arith.addi %mul3A_312, %add3A_313 : i32
      %get3A_315 = arith.index_cast %add3A_314 : i32 to index
      %get3A_316 = tpu.vector_load %arg5[%get3A_315] {strides = array<i32>} : memref<25600xi32, #tpu.memory_space<vmem>>, vector<16xi32>,
      %mul3A_317 = arith.constant 128 : i32
      %mul3A_318 = vector.broadcast %mul3A_317 : i32 to vector<16xi32>
      %mul3A_319 = arith.muli %get3A_316, %mul3A_318 : vector<16xi32>
      %mul3A_320 = arith.constant 256 : i32
      %mul3A_321 = arith.muli %add3A_278, %mul3A_320 : i32
      %add3A_322 = arith.constant 64 : i32
      %add3A_323 = arith.addi %mul3A_321, %add3A_322 : i32
      %get3A_324 = arith.index_cast %add3A_323 : i32 to index
      %get3A_325 = tpu.vector_load %arg5[%get3A_324] {strides = array<i32>} : memref<25600xi32, #tpu.memory_space<vmem>>, vector<16xi32>,
      %mul3A_326 = arith.constant 128 : i32
      %mul3A_327 = vector.broadcast %mul3A_326 : i32 to vector<16xi32>
      %mul3A_328 = arith.muli %get3A_325, %mul3A_327 : vector<16xi32>
      %mul3A_329 = arith.constant 256 : i32
      %mul3A_330 = arith.muli %add3A_278, %mul3A_329 : i32
      %add3A_331 = arith.constant 80 : i32
      %add3A_332 = arith.addi %mul3A_330, %add3A_331 : i32
      %get3A_333 = arith.index_cast %add3A_332 : i32 to index
      %get3A_334 = tpu.vector_load %arg5[%get3A_333] {strides = array<i32>} : memref<25600xi32, #tpu.memory_space<vmem>>, vector<16xi32>,
      %mul3A_335 = arith.constant 128 : i32
      %mul3A_336 = vector.broadcast %mul3A_335 : i32 to vector<16xi32>
      %mul3A_337 = arith.muli %get3A_334, %mul3A_336 : vector<16xi32>
      %mul3A_338 = arith.constant 256 : i32
      %mul3A_339 = arith.muli %add3A_278, %mul3A_338 : i32
      %add3A_340 = arith.constant 96 : i32
      %add3A_341 = arith.addi %mul3A_339, %add3A_340 : i32
      %get3A_342 = arith.index_cast %add3A_341 : i32 to index
      %get3A_343 = tpu.vector_load %arg5[%get3A_342] {strides = array<i32>} : memref<25600xi32, #tpu.memory_space<vmem>>, vector<16xi32>,
      %mul3A_344 = arith.constant 128 : i32
      %mul3A_345 = vector.broadcast %mul3A_344 : i32 to vector<16xi32>
      %mul3A_346 = arith.muli %get3A_343, %mul3A_345 : vector<16xi32>
      %mul3A_347 = arith.constant 256 : i32
      %mul3A_348 = arith.muli %add3A_278, %mul3A_347 : i32
      %add3A_349 = arith.constant 112 : i32
      %add3A_350 = arith.addi %mul3A_348, %add3A_349 : i32
      %get3A_351 = arith.index_cast %add3A_350 : i32 to index
      %get3A_352 = tpu.vector_load %arg5[%get3A_351] {strides = array<i32>} : memref<25600xi32, #tpu.memory_space<vmem>>, vector<16xi32>,
      %mul3A_353 = arith.constant 128 : i32
      %mul3A_354 = vector.broadcast %mul3A_353 : i32 to vector<16xi32>
      %mul3A_355 = arith.muli %get3A_352, %mul3A_354 : vector<16xi32>
      %mul3A_356 = arith.constant 256 : i32
      %mul3A_357 = arith.muli %add3A_278, %mul3A_356 : i32
      %add3A_358 = arith.constant 128 : i32
      %add3A_359 = arith.addi %mul3A_357, %add3A_358 : i32
      %get3A_360 = arith.index_cast %add3A_359 : i32 to index
      %get3A_361 = tpu.vector_load %arg5[%get3A_360] {strides = array<i32>} : memref<25600xi32, #tpu.memory_space<vmem>>, vector<16xi32>,
      %mul3A_362 = arith.constant 128 : i32
      %mul3A_363 = vector.broadcast %mul3A_362 : i32 to vector<16xi32>
      %mul3A_364 = arith.muli %get3A_361, %mul3A_363 : vector<16xi32>
      %mul3A_365 = arith.constant 256 : i32
      %mul3A_366 = arith.muli %add3A_278, %mul3A_365 : i32
      %add3A_367 = arith.constant 144 : i32
      %add3A_368 = arith.addi %mul3A_366, %add3A_367 : i32
      %get3A_369 = arith.index_cast %add3A_368 : i32 to index
      %get3A_370 = tpu.vector_load %arg5[%get3A_369] {strides = array<i32>} : memref<25600xi32, #tpu.memory_space<vmem>>, vector<16xi32>,
      %mul3A_371 = arith.constant 128 : i32
      %mul3A_372 = vector.broadcast %mul3A_371 : i32 to vector<16xi32>
      %mul3A_373 = arith.muli %get3A_370, %mul3A_372 : vector<16xi32>
      %mul3A_374 = arith.constant 256 : i32
      %mul3A_375 = arith.muli %add3A_278, %mul3A_374 : i32
      %add3A_376 = arith.constant 160 : i32
      %add3A_377 = arith.addi %mul3A_375, %add3A_376 : i32
      %get3A_378 = arith.index_cast %add3A_377 : i32 to index
      %get3A_379 = tpu.vector_load %arg5[%get3A_378] {strides = array<i32>} : memref<25600xi32, #tpu.memory_space<vmem>>, vector<16xi32>,
      %mul3A_380 = arith.constant 128 : i32
      %mul3A_381 = vector.broadcast %mul3A_380 : i32 to vector<16xi32>
      %mul3A_382 = arith.muli %get3A_379, %mul3A_381 : vector<16xi32>
      %mul3A_383 = arith.constant 256 : i32
      %mul3A_384 = arith.muli %add3A_278, %mul3A_383 : i32
      %add3A_385 = arith.constant 176 : i32
      %add3A_386 = arith.addi %mul3A_384, %add3A_385 : i32
      %get3A_387 = arith.index_cast %add3A_386 : i32 to index
      %get3A_388 = tpu.vector_load %arg5[%get3A_387] {strides = array<i32>} : memref<25600xi32, #tpu.memory_space<vmem>>, vector<16xi32>,
      %mul3A_389 = arith.constant 128 : i32
      %mul3A_390 = vector.broadcast %mul3A_389 : i32 to vector<16xi32>
      %mul3A_391 = arith.muli %get3A_388, %mul3A_390 : vector<16xi32>
      %mul3A_392 = arith.constant 256 : i32
      %mul3A_393 = arith.muli %add3A_278, %mul3A_392 : i32
      %add3A_394 = arith.constant 192 : i32
      %add3A_395 = arith.addi %mul3A_393, %add3A_394 : i32
      %get3A_396 = arith.index_cast %add3A_395 : i32 to index
      %get3A_397 = tpu.vector_load %arg5[%get3A_396] {strides = array<i32>} : memref<25600xi32, #tpu.memory_space<vmem>>, vector<16xi32>,
      %mul3A_398 = arith.constant 128 : i32
      %mul3A_399 = vector.broadcast %mul3A_398 : i32 to vector<16xi32>
      %mul3A_400 = arith.muli %get3A_397, %mul3A_399 : vector<16xi32>
      %mul3A_401 = arith.constant 256 : i32
      %mul3A_402 = arith.muli %add3A_278, %mul3A_401 : i32
      %add3A_403 = arith.constant 208 : i32
      %add3A_404 = arith.addi %mul3A_402, %add3A_403 : i32
      %get3A_405 = arith.index_cast %add3A_404 : i32 to index
      %get3A_406 = tpu.vector_load %arg5[%get3A_405] {strides = array<i32>} : memref<25600xi32, #tpu.memory_space<vmem>>, vector<16xi32>,
      %mul3A_407 = arith.constant 128 : i32
      %mul3A_408 = vector.broadcast %mul3A_407 : i32 to vector<16xi32>
      %mul3A_409 = arith.muli %get3A_406, %mul3A_408 : vector<16xi32>
      %mul3A_410 = arith.constant 256 : i32
      %mul3A_411 = arith.muli %add3A_278, %mul3A_410 : i32
      %add3A_412 = arith.constant 224 : i32
      %add3A_413 = arith.addi %mul3A_411, %add3A_412 : i32
      %get3A_414 = arith.index_cast %add3A_413 : i32 to index
      %get3A_415 = tpu.vector_load %arg5[%get3A_414] {strides = array<i32>} : memref<25600xi32, #tpu.memory_space<vmem>>, vector<16xi32>,
      %mul3A_416 = arith.constant 128 : i32
      %mul3A_417 = vector.broadcast %mul3A_416 : i32 to vector<16xi32>
      %mul3A_418 = arith.muli %get3A_415, %mul3A_417 : vector<16xi32>
      %mul3A_419 = arith.constant 256 : i32
      %mul3A_420 = arith.muli %add3A_278, %mul3A_419 : i32
      %add3A_421 = arith.constant 240 : i32
      %add3A_422 = arith.addi %mul3A_420, %add3A_421 : i32
      %get3A_423 = arith.index_cast %add3A_422 : i32 to index
      %get3A_424 = tpu.vector_load %arg5[%get3A_423] {strides = array<i32>} : memref<25600xi32, #tpu.memory_space<vmem>>, vector<16xi32>,
      %mul3A_425 = arith.constant 128 : i32
      %mul3A_426 = vector.broadcast %mul3A_425 : i32 to vector<16xi32>
      %mul3A_427 = arith.muli %get3A_424, %mul3A_426 : vector<16xi32>
      %parallel_loop3A_428 = arith.constant 0 : i32
      %parallel_loop3A_429 = arith.constant 128 : i32
      %parallel_loop3A_430 = arith.constant 1 : i32
      scf.for %parallel_loop3A_438 = %parallel_loop3A_428 to %parallel_loop3A_429 step %parallel_loop3A_430  : i32 {
        %parallel_loop3A_439 = vector.broadcast %parallel_loop3A_438 : i32 to vector<16xi32>
        %parallel_loop3A_440 = arith.addi %iota3A, %parallel_loop3A_439 : vector<16xi32>
        %parallel_loop3A_441 = arith.constant 127 : i32
        %parallel_loop3A_442 = vector.broadcast %parallel_loop3A_441 : i32 to vector<16xi32>
        %parallel_loop3A_443 = arith.andi %parallel_loop3A_440, %parallel_loop3A_442 : vector<16xi32>
        %parallel_loop3A_444 = arith.addi %mul3A_292, %parallel_loop3A_443 : vector<16xi32>
        %parallel_loop3A_445 = tpu.vector_load_idx %arg6[%parallel_loop3A_444] : memref<640xf32, #tpu.memory_space<vmem>>[vector<16xi32>], vector<16xf32>,
        %parallel_loop3A_446 = arith.addi %mul3A_10, %parallel_loop3A_443 : vector<16xi32>
        tpu.vector_store_idx %arg8[%parallel_loop3A_446], %parallel_loop3A_445 : memref<32768xf32, #tpu.memory_space<vmem>>[vector<16xi32>], vector<16xf32>,
        %parallel_loop3A_447 = arith.addi %mul3A_301, %parallel_loop3A_443 : vector<16xi32>
        %parallel_loop3A_448 = tpu.vector_load_idx %arg6[%parallel_loop3A_447] : memref<640xf32, #tpu.memory_space<vmem>>[vector<16xi32>], vector<16xf32>,
        %parallel_loop3A_449 = arith.addi %mul3A_16, %parallel_loop3A_443 : vector<16xi32>
        tpu.vector_store_idx %arg8[%parallel_loop3A_449], %parallel_loop3A_448 : memref<32768xf32, #tpu.memory_space<vmem>>[vector<16xi32>], vector<16xf32>,
        %parallel_loop3A_450 = arith.addi %mul3A_310, %parallel_loop3A_443 : vector<16xi32>
        %parallel_loop3A_451 = tpu.vector_load_idx %arg6[%parallel_loop3A_450] : memref<640xf32, #tpu.memory_space<vmem>>[vector<16xi32>], vector<16xf32>,
        %parallel_loop3A_452 = arith.addi %mul3A_22, %parallel_loop3A_443 : vector<16xi32>
        tpu.vector_store_idx %arg8[%parallel_loop3A_452], %parallel_loop3A_451 : memref<32768xf32, #tpu.memory_space<vmem>>[vector<16xi32>], vector<16xf32>,
        %parallel_loop3A_453 = arith.addi %mul3A_319, %parallel_loop3A_443 : vector<16xi32>
        %parallel_loop3A_454 = tpu.vector_load_idx %arg6[%parallel_loop3A_453] : memref<640xf32, #tpu.memory_space<vmem>>[vector<16xi32>], vector<16xf32>,
        %parallel_loop3A_455 = arith.addi %mul3A_28, %parallel_loop3A_443 : vector<16xi32>
        tpu.vector_store_idx %arg8[%parallel_loop3A_455], %parallel_loop3A_454 : memref<32768xf32, #tpu.memory_space<vmem>>[vector<16xi32>], vector<16xf32>,
        %parallel_loop3A_456 = arith.addi %mul3A_328, %parallel_loop3A_443 : vector<16xi32>
        %parallel_loop3A_457 = tpu.vector_load_idx %arg6[%parallel_loop3A_456] : memref<640xf32, #tpu.memory_space<vmem>>[vector<16xi32>], vector<16xf32>,
        %parallel_loop3A_458 = arith.addi %mul3A_34, %parallel_loop3A_443 : vector<16xi32>
        tpu.vector_store_idx %arg8[%parallel_loop3A_458], %parallel_loop3A_457 : memref<32768xf32, #tpu.memory_space<vmem>>[vector<16xi32>], vector<16xf32>,
        %parallel_loop3A_459 = arith.addi %mul3A_337, %parallel_loop3A_443 : vector<16xi32>
        %parallel_loop3A_460 = tpu.vector_load_idx %arg6[%parallel_loop3A_459] : memref<640xf32, #tpu.memory_space<vmem>>[vector<16xi32>], vector<16xf32>,
        %parallel_loop3A_461 = arith.addi %mul3A_40, %parallel_loop3A_443 : vector<16xi32>
        tpu.vector_store_idx %arg8[%parallel_loop3A_461], %parallel_loop3A_460 : memref<32768xf32, #tpu.memory_space<vmem>>[vector<16xi32>], vector<16xf32>,
        %parallel_loop3A_462 = arith.addi %mul3A_346, %parallel_loop3A_443 : vector<16xi32>
        %parallel_loop3A_463 = tpu.vector_load_idx %arg6[%parallel_loop3A_462] : memref<640xf32, #tpu.memory_space<vmem>>[vector<16xi32>], vector<16xf32>,
        %parallel_loop3A_464 = arith.addi %mul3A_46, %parallel_loop3A_443 : vector<16xi32>
        tpu.vector_store_idx %arg8[%parallel_loop3A_464], %parallel_loop3A_463 : memref<32768xf32, #tpu.memory_space<vmem>>[vector<16xi32>], vector<16xf32>,
        %parallel_loop3A_465 = arith.addi %mul3A_355, %parallel_loop3A_443 : vector<16xi32>
        %parallel_loop3A_466 = tpu.vector_load_idx %arg6[%parallel_loop3A_465] : memref<640xf32, #tpu.memory_space<vmem>>[vector<16xi32>], vector<16xf32>,
        %parallel_loop3A_467 = arith.addi %mul3A_52, %parallel_loop3A_443 : vector<16xi32>
        tpu.vector_store_idx %arg8[%parallel_loop3A_467], %parallel_loop3A_466 : memref<32768xf32, #tpu.memory_space<vmem>>[vector<16xi32>], vector<16xf32>,
        %parallel_loop3A_468 = arith.addi %mul3A_364, %parallel_loop3A_443 : vector<16xi32>
        %parallel_loop3A_469 = tpu.vector_load_idx %arg6[%parallel_loop3A_468] : memref<640xf32, #tpu.memory_space<vmem>>[vector<16xi32>], vector<16xf32>,
        %parallel_loop3A_470 = arith.addi %mul3A_58, %parallel_loop3A_443 : vector<16xi32>
        tpu.vector_store_idx %arg8[%parallel_loop3A_470], %parallel_loop3A_469 : memref<32768xf32, #tpu.memory_space<vmem>>[vector<16xi32>], vector<16xf32>,
        %parallel_loop3A_471 = arith.addi %mul3A_373, %parallel_loop3A_443 : vector<16xi32>
        %parallel_loop3A_472 = tpu.vector_load_idx %arg6[%parallel_loop3A_471] : memref<640xf32, #tpu.memory_space<vmem>>[vector<16xi32>], vector<16xf32>,
        %parallel_loop3A_473 = arith.addi %mul3A_64, %parallel_loop3A_443 : vector<16xi32>
        tpu.vector_store_idx %arg8[%parallel_loop3A_473], %parallel_loop3A_472 : memref<32768xf32, #tpu.memory_space<vmem>>[vector<16xi32>], vector<16xf32>,
        %parallel_loop3A_474 = arith.addi %mul3A_382, %parallel_loop3A_443 : vector<16xi32>
        %parallel_loop3A_475 = tpu.vector_load_idx %arg6[%parallel_loop3A_474] : memref<640xf32, #tpu.memory_space<vmem>>[vector<16xi32>], vector<16xf32>,
        %parallel_loop3A_476 = arith.addi %mul3A_70, %parallel_loop3A_443 : vector<16xi32>
        tpu.vector_store_idx %arg8[%parallel_loop3A_476], %parallel_loop3A_475 : memref<32768xf32, #tpu.memory_space<vmem>>[vector<16xi32>], vector<16xf32>,
        %parallel_loop3A_477 = arith.addi %mul3A_391, %parallel_loop3A_443 : vector<16xi32>
        %parallel_loop3A_478 = tpu.vector_load_idx %arg6[%parallel_loop3A_477] : memref<640xf32, #tpu.memory_space<vmem>>[vector<16xi32>], vector<16xf32>,
        %parallel_loop3A_479 = arith.addi %mul3A_76, %parallel_loop3A_443 : vector<16xi32>
        tpu.vector_store_idx %arg8[%parallel_loop3A_479], %parallel_loop3A_478 : memref<32768xf32, #tpu.memory_space<vmem>>[vector<16xi32>], vector<16xf32>,
        %parallel_loop3A_480 = arith.addi %mul3A_400, %parallel_loop3A_443 : vector<16xi32>
        %parallel_loop3A_481 = tpu.vector_load_idx %arg6[%parallel_loop3A_480] : memref<640xf32, #tpu.memory_space<vmem>>[vector<16xi32>], vector<16xf32>,
        %parallel_loop3A_482 = arith.addi %mul3A_82, %parallel_loop3A_443 : vector<16xi32>
        tpu.vector_store_idx %arg8[%parallel_loop3A_482], %parallel_loop3A_481 : memref<32768xf32, #tpu.memory_space<vmem>>[vector<16xi32>], vector<16xf32>,
        %parallel_loop3A_483 = arith.addi %mul3A_409, %parallel_loop3A_443 : vector<16xi32>
        %parallel_loop3A_484 = tpu.vector_load_idx %arg6[%parallel_loop3A_483] : memref<640xf32, #tpu.memory_space<vmem>>[vector<16xi32>], vector<16xf32>,
        %parallel_loop3A_485 = arith.addi %mul3A_88, %parallel_loop3A_443 : vector<16xi32>
        tpu.vector_store_idx %arg8[%parallel_loop3A_485], %parallel_loop3A_484 : memref<32768xf32, #tpu.memory_space<vmem>>[vector<16xi32>], vector<16xf32>,
        %parallel_loop3A_486 = arith.addi %mul3A_418, %parallel_loop3A_443 : vector<16xi32>
        %parallel_loop3A_487 = tpu.vector_load_idx %arg6[%parallel_loop3A_486] : memref<640xf32, #tpu.memory_space<vmem>>[vector<16xi32>], vector<16xf32>,
        %parallel_loop3A_488 = arith.addi %mul3A_94, %parallel_loop3A_443 : vector<16xi32>
        tpu.vector_store_idx %arg8[%parallel_loop3A_488], %parallel_loop3A_487 : memref<32768xf32, #tpu.memory_space<vmem>>[vector<16xi32>], vector<16xf32>,
        %parallel_loop3A_489 = arith.addi %mul3A_427, %parallel_loop3A_443 : vector<16xi32>
        %parallel_loop3A_490 = tpu.vector_load_idx %arg6[%parallel_loop3A_489] : memref<640xf32, #tpu.memory_space<vmem>>[vector<16xi32>], vector<16xf32>,
        %parallel_loop3A_491 = arith.addi %mul3A_100, %parallel_loop3A_443 : vector<16xi32>
        tpu.vector_store_idx %arg8[%parallel_loop3A_491], %parallel_loop3A_490 : memref<32768xf32, #tpu.memory_space<vmem>>[vector<16xi32>], vector<16xf32>,
      } {sc.loop_unroll_factor = 8 : i64, sc.parallel_access}
      %mul3A_431 = arith.constant 256 : i32
      %mul3A_432 = arith.muli %add3A_278, %mul3A_431 : i32
      %add3A_433 = arith.addi %mul3A_2, %mul3A_432 : i32
      %mul3A_434 = arith.constant 128 : i32
      %mul3A_435 = arith.muli %add3A_433, %mul3A_434 : i32
      %dma_start3A_436 = tpu.memref_slice %arg4[%mul3A_435] : memref<104857600xf32, #tpu.memory_space<hbm>> -> memref<32768xf32, #tpu.memory_space<hbm>>
      %dma_start3A_437 = tpu.memref_slice %arg4[%mul3A_435] : memref<104857600xf32, #tpu.memory_space<hbm>> -> memref<32768xf32, #tpu.memory_space<hbm>>
      tpu.enqueue_dma source(%arg8 : memref<32768xf32, #tpu.memory_space<vmem>>) target(%dma_start3A_437 : memref<32768xf32, #tpu.memory_space<hbm>>) target_semaphore(%arg11 : memref<!tpu.dma_semaphore, #tpu.memory_space<semaphore_mem>>)
    }
    %scan3A_105 = arith.constant 50 : i32
    %add3A_106 = arith.constant 25088 : i32
    %add3A_107 = arith.addi %mul3A_2, %add3A_106 : i32
    %mul3A_108 = arith.constant 128 : i32
    %mul3A_109 = arith.muli %add3A_107, %mul3A_108 : i32
    %dma_wait3A_110 = tpu.memref_slice %arg4[%mul3A_109] : memref<104857600xf32, #tpu.memory_space<hbm>> -> memref<32768xf32, #tpu.memory_space<hbm>>
    %dma_wait3A_111 = tpu.memref_slice %arg4[%mul3A_109] : memref<104857600xf32, #tpu.memory_space<hbm>> -> memref<32768xf32, #tpu.memory_space<hbm>>
    tpu.wait_dma2 semaphore(%arg10 : memref<!tpu.dma_semaphore, #tpu.memory_space<semaphore_mem>>) src(%arg7 : memref<32768xf32, #tpu.memory_space<vmem>>) dst(%dma_wait3A_111 : memref<32768xf32, #tpu.memory_space<hbm>>)
    %add3A_112 = arith.constant 25344 : i32
    %add3A_113 = arith.addi %mul3A_2, %add3A_112 : i32
    %mul3A_114 = arith.constant 128 : i32
    %mul3A_115 = arith.muli %add3A_113, %mul3A_114 : i32
    %dma_wait3A_116 = tpu.memref_slice %arg4[%mul3A_115] : memref<104857600xf32, #tpu.memory_space<hbm>> -> memref<32768xf32, #tpu.memory_space<hbm>>
    %dma_wait3A_117 = tpu.memref_slice %arg4[%mul3A_115] : memref<104857600xf32, #tpu.memory_space<hbm>> -> memref<32768xf32, #tpu.memory_space<hbm>>
    tpu.wait_dma2 semaphore(%arg11 : memref<!tpu.dma_semaphore, #tpu.memory_space<semaphore_mem>>) src(%arg8 : memref<32768xf32, #tpu.memory_space<vmem>>) dst(%dma_wait3A_117 : memref<32768xf32, #tpu.memory_space<hbm>>)
    return
  }
}

</mosaic_0001>

<sc_bundles>
// kernel: _sc_lookup.3.cloned.1.call-start
scs
__scs_entry_jumppad:
0x0: {  	(pc) =	sbr.rel $0x88, $3  }
0x1: {  	(tag) =	ssettag $0x0;
	lr =	simm.s32 $0x1  }
0x2: {  	[smem:$0x3F9F] =	sst lr;
	_ =	strace $0xD0000000  }
0x3: {  	_ = 	snop  }
0x4: {  	_ = 	snop  }
0x5: {  	_ = 	snop  }
0x6: {  	_ = 	snop  }
0x7: {  	_ = 	snop  }
__scs_overlays_trampoline_lowered:
0x8: {  	[smem:$0x3FAE] =	sst s0  }
0x9: {  	[smem:$0x3FAF] =	sst s1  }
0xa: {  	[smem:$0x3FB0] =	sst s2  }
0xb: {  	[smem:$0x3FB1] =	sst s3  }
0xc: {  	[smem:$0x3FB2] =	sst s4  }
0xd: {  	[smem:$0x3FB3] =	sst s5  }
0xe: {  	[smem:$0x3FB4] =	sst s6  }
0xf: {  	[smem:$0x3FB5] =	sst s7  }
0x10: {  	[smem:$0x3FB6] =	sst s8  }
0x11: {  	[smem:$0x3FB7] =	sst s9;
	s0 =	simm.s32 @!p0 $0x0  }
0x12: {  	s1 =	sld [smem:$0x3F9D];
	s0 =	simm.s32 @p0 $0x1  }
0x13: {  	[smem:$0x3FB8] =	sst s0;
	s0 =	simm.s32 @!p1 $0x0  }
0x14: {  	s2 =	sld [smem:$0x3F9C];
	s0 =	simm.s32 @p1 $0x1  }
0x15: {  	[smem:$0x3FB9] =	sst s0;
	s0 =	simm.s32 @!p2 $0x0  }
0x16: {  	s3 =	sld [smem:$0x3FDB];
	s0 =	simm.s32 @p2 $0x1  }
0x17: {  	s4 =	simm.s32 $0x1BF5;
	[smem:$0x3FBB] =	sst s0  }
0x18: {  	s0 =	sld [smem:$0x3F9E];
	_ =	swait.ge [sflag:s4], $0x0  }
0x19: {  	s7 =	sld [smem:$0x3F9F]  }
0x1a: {  	s8 =	sadd.s32 $0xFFFFE003, lr  }
0x1b: {  	s9 =	sadd.s32 $0xFFFFFEF7, lr;
	s5 =	simm.s32 $0xFFFFFFFF;
	p2 =	slt.u32 s8, $0xFFFFF086  }
0x1c: {  	p1 =	slt.u32 s9, $0xF7A;
	s5 =	simm.s32 @!p2 $0x0  }
0x1d: {  	s5 =	simm.s32 @p1 $0x1;
	p0 =	seq.s32 s7, s2  }
0x1e: {  	s7 =	smul.u32 @!p0 $0xF7A, s2;
	p2 =	seq.s32 @!p0 s5, $0x0  }
0x1f: {  	s9 =	smul.u32 $0xF7A, s1;
	s8 =	simm.s32 @!p0 $0x1BF5;
	p2 =	por !p2, p0  }
0x20: {  	[sflag:s8] =	ssyncset.s32 @!p0 $0xFFFFF086;
	s6 =	sadd.s32 @!p0 s3, s7;
	s7 =	simm.s32 @!p0 $0x108  }
0x21: {  	s3 =	sadd.s32 s3, s9;
	s6 =	sadd.s32 @!p0 $0x88, s6;
	s7 =	simm.s32 @p2 $0x1082  }
0x22: {  	[simem:s7], [sflag:s8] =	dma.local @!p0 [hbm:s6], $0xF7A  }
0x23: {  	s9 =	sor.u32 $0xD0000000, s2;
	s6 =	simm.s32 $0x108;
	_ =	swait.ge @!p0 [sflag:s8], $0x0  }
0x24: {  	s3 =	sadd.s32 $0x88, s3;
	s6 =	simm.s32 @!p1 $0x1082;
	[sflag:s4] =	ssyncset.s32 $0xFFFFF086  }
0x25: {  	[simem:s6], [sflag:s4] =	dma.local [hbm:s3], $0xF7A  }
0x26: {  	[smem:$0x3F9F] =	sst s1;
	(tag) =	ssettag s2;
	_ =	strace s9  }
0x27: {  	s1 =	sld [smem:$0x3FAF]  }
0x28: {  	s2 =	sld [smem:$0x3FB0]  }
0x29: {  	s4 =	sld [smem:$0x3FB2]  }
0x2a: {  	p0 =	seq.s32 s5, $0x0;
	s5 =	sld [smem:$0x3FB3]  }
0x2b: {  	s6 =	sld [smem:$0x3FB4]  }
0x2c: {  	s7 =	sld [smem:$0x3FB5]  }
0x2d: {  	s3 =	simm.s32 $0x108;
	s8 =	sld [smem:$0x3FB6]  }
0x2e: {  	s3 =	simm.s32 @!p0 $0x1082;
	s9 =	sld [smem:$0x3FB7]  }
0x2f: {  	lr =	sadd.s32 s0, s3;
	s0 =	sld [smem:$0x3FAE]  }
0x30: {  	s3 =	sld [smem:$0x3FB1]  }
0x31: {  	[smem:$0x3FBA] =	sst s10  }
0x32: {  	s10 =	sld [smem:$0x3FB8];
	_ =	sdelay $0x3  }
0x33: {  	p0 =	seq.s32 s10, $0x1;
	s10 =	sld [smem:$0x3FBA];
	_ =	sdelay $0x3  }
0x34: {  	[smem:$0x3FBA] =	sst s10  }
0x35: {  	s10 =	sld [smem:$0x3FB9];
	_ =	sdelay $0x3  }
0x36: {  	p1 =	seq.s32 s10, $0x1;
	s10 =	sld [smem:$0x3FBA];
	_ =	sdelay $0x3  }
0x37: {  	[smem:$0x3FBA] =	sst s10  }
0x38: {  	s10 =	sld [smem:$0x3FBB]  }
0x39: {  	_ = 	snop;
	(pc) =	sbr.ind lr, $3  }
0x3a: {  	_ = 	snop  }
0x3b: {  	_ = 	snop  }
0x3c: {  	p2 =	seq.s32 s10, $0x1;
	s10 =	sld [smem:$0x3FBA]  }
0x3d: {  	_ =	shalt  }
0x3e: {  	_ =	shalt  }
0x3f: {  	_ =	shalt  }
0x40: {  	_ =	shalt  }
0x41: {  	_ =	shalt  }
0x42: {  	_ =	shalt  }
0x43: {  	_ =	shalt  }
0x44: {  	_ =	shalt  }
0x45: {  	_ =	shalt  }
0x46: {  	_ =	shalt  }
0x47: {  	_ =	shalt  }
0x48: {  	_ =	shalt  }
0x49: {  	_ =	shalt  }
0x4a: {  	_ =	shalt  }
0x4b: {  	_ =	shalt  }
0x4c: {  	_ =	shalt  }
0x4d: {  	_ =	shalt  }
0x4e: {  	_ =	shalt  }
0x4f: {  	_ =	shalt  }
0x50: {  	_ =	shalt  }
0x51: {  	_ =	shalt  }
0x52: {  	_ =	shalt  }
0x53: {  	_ =	shalt  }
0x54: {  	_ =	shalt  }
0x55: {  	_ =	shalt  }
0x56: {  	_ =	shalt  }
0x57: {  	_ =	shalt  }
0x58: {  	_ =	shalt  }
0x59: {  	_ =	shalt  }
0x5a: {  	_ =	shalt  }
0x5b: {  	_ =	shalt  }
0x5c: {  	_ =	shalt  }
0x5d: {  	_ =	shalt  }
0x5e: {  	_ =	shalt  }
0x5f: {  	_ =	shalt  }
0x60: {  	_ =	shalt  }
0x61: {  	_ =	shalt  }
0x62: {  	_ =	shalt  }
0x63: {  	_ =	shalt  }
0x64: {  	_ =	shalt  }
0x65: {  	_ =	shalt  }
0x66: {  	_ =	shalt  }
0x67: {  	_ =	shalt  }
0x68: {  	_ =	shalt  }
0x69: {  	_ =	shalt  }
0x6a: {  	_ =	shalt  }
0x6b: {  	_ =	shalt  }
0x6c: {  	_ =	shalt  }
0x6d: {  	_ =	shalt  }
0x6e: {  	_ =	shalt  }
0x6f: {  	_ =	shalt  }
0x70: {  	_ =	shalt  }
0x71: {  	_ =	shalt  }
0x72: {  	_ =	shalt  }
0x73: {  	_ =	shalt  }
0x74: {  	_ =	shalt  }
0x75: {  	_ =	shalt  }
0x76: {  	_ =	shalt  }
0x77: {  	_ =	shalt  }
0x78: {  	_ =	shalt  }
0x79: {  	_ =	shalt  }
0x7a: {  	_ =	shalt  }
0x7b: {  	_ =	shalt  }
0x7c: {  	_ =	shalt  }
0x7d: {  	_ =	shalt  }
0x7e: {  	_ =	shalt  }
0x7f: {  	_ =	shalt  }
0x80: {  	_ =	shalt  }
0x81: {  	_ =	shalt  }
0x82: {  	_ =	shalt  }
0x83: {  	_ =	shalt  }
0x84: {  	_ =	shalt  }
0x85: {  	_ =	shalt  }
0x86: {  	_ =	shalt  }
0x87: {  	_ =	shalt  }
.Lfunc_end0:
.L_simem_size_0:
called_computation_lowered:
.L_overlay_start_0:
0x88: {  	s2 =	sld [smem:$0x3FD9]  }
0x89: {  	s3 =	sld [smem:$0x3FFE];
	_ =	sdelay $0x1  }
0x8a: {  	s1 =	srdreg.scid  }
0x8b: {  	s0 =	sand.u32 $0x1, s1  }
0x8c: {  	s18 =	sshll.u32 s0, $0xA;
	s2 =	sadd.s32 s3, s2  }
0x8d: {  	s2 =	sadd.s32 s2, s18  }
0x8e: {  	[smem:$0x3FC6] =	sst s2  }
0x8f: {  	_ = 	snop  }
0x90: {  	s2 =	sld [smem:$0x3FC9]  }
0x91: {  	s19 =	sld [smem:$0x3FC8]  }
0x92: {  	s4 =	sld [smem:$0x3FD0];
	(tm) =	ssettm $0x1  }
0x93: {  	s5 =	sld [smem:$0x3FFB];
	_ =	sdelay $0x3  }
0x94: {  	_ =	strace s5  }
0x95: {  	s5 =	sld [smem:$0x3FFC];
	_ =	sdelay $0x3  }
0x96: {  	_ =	strace s5  }
0x97: {  	s5 =	sld [smem:$0x3FFD];
	_ =	sdelay $0x3  }
0x98: {  	_ =	strace s5  }
0x99: {  	_ =	strace $0x8FFFFFFF  }
0x9a: {  	s20 =	sld [smem:$0x3FDB];
	_ =	sdelay $0x1  }
0x9b: {  	s6 =	simm.s32 $_scs_section_size  }
0x9c: {  	s7 =	simm.s32 $_size__tile_overlayer_lowered;
	s8 =	simm.s32 $_tile_overlayer_lowered  }
0x9d: {  	s23 =	simm.s32 $0x1BFF;
	s22 =	sshll.u32 s8, $0x1;
	s5 =	sadd.s32 s6, s20  }
0x9e: {  	s9 =	simm.s32 $0x0;
	s21 =	sshll.u32 s7, $0x1;
	s7 =	sadd.s32 s22, s5  }
0x9f: {  	[timem:s9], [sflag:s23] =	dma.local [hbm:s7], s21  }
0xa0: {  	_ =	swait.ge [sflag:s23], s21  }
0xa1: {  	s6 =	ssub.s32 $0x0, s21;
	[sflag:s23] =	ssyncset.done $0x0  }
0xa2: {  	[sflag:s23] =	ssyncadd.s32 s6;
	_ =	sdelay $0x1  }
0xa3: {  	s24 =	simm.s32 $0x1B8B  }
0xa4: {  	_ =	swait.ge [sflag:s24], $0x1  }
0xa5: {  	[sflag:s24] =	ssyncset.done $0x0  }
0xa6: {  	s25 =	simm.s32 $0x1B8E;
	[sflag:s24] =	ssyncadd.s32 $0xFFFFFFFF  }
0xa7: {  	s26 =	simm.s32 $execute0_lowered;
	[smem:$0x3FD2] =	sst s25  }
0xa8: {  	s6 =	sshll.u32 s26, $0x1;
	_ =	strace $0x80000046;
	[dreg:$0x1] =	wrdreg $0xFFFFFFFF  }
0xa9: {  	s28 =	simm.s32 $_size_execute0_lowered;
	s5 =	sadd.s32 s5, s6;
	[dreg:$0x0] =	wrdreg $0x0  }
0xaa: {  	s6 =	sshll.u32 s28, $0x1;
	[dreg:$0x2] =	wrdreg s5  }
0xab: {  	[dreg:$0x3] =	wrdreg s6  }
0xac: {  	[dreg:$0x4] =	wrdreg $0xC0  }
0xad: {  	_ =	task [dreg:s9], $0x5FFFF  }
0xae: {  	[dreg:$0x1] =	wrdreg $0xFFFFFFFF  }
0xaf: {  	[dreg:$0x0] =	wrdreg $0x60  }
0xb0: {  	[dreg:$0x2] =	wrdreg s2  }
0xb1: {  	[dreg:$0x3] =	wrdreg s19  }
0xb2: {  	[dreg:$0x4] =	wrdreg s4  }
0xb3: {  	[dreg:$0x5] =	wrdreg $0x9  }
0xb4: {  	_ =	task.clear_ibuf [dreg:s9], $0x6FFFF;
	_ =	strace $0x90000046  }
0xb5: {  	s29 =	simm.s32 $0x9;
	_ =	strace $0x80000048  }
0xb6: {  	_ =	swait.ge [sflag:s29], $0x1  }
0xb7: {  	[sflag:s29] =	ssyncadd.s32 $0xFFFFFFFF  }
0xb8: {  	_ =	strace $0x90000048  }
0xb9: {  	_ =	sfence  }
0xba: {  	s30 =	sld [smem:$0x0];
	_ =	sdelay $0x2  }
0xbb: {  	s31 =	sshll.u32 s1, $0xD;
	s1 =	sshrl.u32 s1, $0x2  }
0xbc: {  	s3 =	sand.u32 $0x4000, s31;
	s1 =	sadd.s32 s1, s30  }
0xbd: {  	s0 =	sor.u32 s3, s0;
	s1 =	sshll.u32 s1, $0x11  }
0xbe: {  	s0 =	sor.u32 s1, s0  }
0xbf: {  	s0 =	sadd.s32 $0x8F2B, s0  }
0xc0: {  	[sflag:s0] =	ssyncadd.remote.s32 $0x1  }
0xc1: {  	_ =	sfence.sel $0xFFFF  }
0xc2: {  	[dreg:$0x0] =	wrdreg $0xFFFFFFFF;
	(pc) =	sbr.abs _section_cstart, $3  }
0xc3: {  	[dreg:$0x1] =	wrdreg $0xFFFFFFFF  }
0xc4: {  	_ =	task.clear_ibuf [dreg:s9], $0x2FFFF;
	_ =	strace $0x9FFFFFFF  }
0xc5: {  	(tm) =	ssettm $0x7FFFFFFF  }
tec
execute0_lowered:
.L_overlay_start_1:
0x0: {  	(tag) =	ssettag $0x1  }
0x1: {  	s6 =	rddreg [dreg:$0x0]  }
0x2: {  	s1 =	srdreg.scid;
	s2 =	rddreg [dreg:$0x1]  }
0x3: {  	s0 =	stileid.u32;
	v0 =	vlaneseq.u32;
	s3 =	rddreg [dreg:$0x2];
	s5 =	simm.s32 $0x0  }
0x4: {  	s10 =	simm.s32 $0x1;
	s11 =	simm.s32 $0x6680;
	s12 =	simm.s32 $0xE680;
	v1 =	vmul.u32 $0x80, v0  }
0x5: {  	s13 =	simm.s32 $0x2;
	s7 =	sand.u32 $0x1, s1;
	s31 =	sshll.u32 s0, $0x1  }
0x6: {  	s14 =	simm.s32 $0x3;
	s15 =	simm.s32 $0x0;
	s1 =	sor.u32 s7, s31;
	v2 =	vor.u32 $0x800, v1;
	v3 =	vor.u32 $0x1000, v1;
	v4 =	vor.u32 $0x1800, v1  }
0x7: {  	[smem:$0x7FF] =	sst s5;
	s7 =	ssub.s32 $0x2, s7;
	s4 =	smul.u32 $0x6400, s1;
	v5 =	vor.u32 $0x2000, v1;
	v6 =	vor.u32 $0x2800, v1;
	v7 =	vor.u32 $0x3000, v1  }
0x8: {  	s1 =	rddreg [dreg:$0x3];
	s8 =	sshrl.u32 s7, $0x1;
	_ =	strace $0x80000047;
	v8 =	vor.u32 $0x3800, v1;
	v9 =	vor.u32 $0x4000, v1;
	v10 =	vor.u32 $0x4800, v1  }
0x9: {  	v11 =	vor.u32 $0x5000, v1;
	v12 =	vor.u32 $0x5800, v1;
	v13 =	vor.u32 $0x6000, v1;
	s7 =	ssub.s32 s7, s8;
	s8 =	simm.s32 $0x6400;
	s9 =	sshrl.u32 s4, $0x3  }
0xa: {  	v14 =	vor.u32 $0x6800, v1;
	v15 =	vor.u32 $0x7000, v1;
	v16 =	vor.u32 $0x7800, v1;
	s7 =	smax.u32 s7, $0x1;
	s6 =	sadd.s32 s6, s9;
	s9 =	simm.s32 $0x4  }
.LBB2_1:
0xb: {  	[tilespmem:s8], [sflag:$0x4] =	stream.linear.gather [hbm4b:s2+s5], $0x280, $0x38;
	[tilespmem:$0x16680] =	vst v63  }
0xc: {  	_ =	swait.ge [sflag:s9], $0x280  }
0xd: {  	[sflag:s9] =	ssyncset.done $0x0  }
0xe: {  	[sflag:s9] =	ssyncadd.s32 $0xFFFFFD80  }
0xf: {  	[tilespmem:s5], [sflag:$0x1] =	stream.linear.gather [hbm4b:s6+s5], $0x6400, $0x38;
	[tilespmem:$0x16680] =	vst v63  }
0x10: {  	_ =	swait.ge [sflag:s10], $0x6400  }
0x11: {  	[sflag:s10] =	ssyncset.done $0x0  }
0x12: {  	s16 =	simm.s32 $0x0;
	[sflag:s10] =	ssyncadd.s32 $0xFFFF9C00  }
.LBB2_2:
0x13: {  	p0 =	seq.s32 s16, $0x0  }
0x14: {  	s18 =	simm.s32 @!p0 $0x2  }
0x15: {  	_ =	swait.ge @!p0 [sflag:s18], $0x8000  }
0x16: {  	[sflag:s18] =	ssyncset.done @!p0 $0x0  }
0x17: {  	s17 =	sshll.u32 s16, $0x9;
	[sflag:s18] =	ssyncadd.s32 @!p0 $0xFFFF8000  }
0x18: {  	v17 =	vld [tilespmem:s17+$0x0]  }
0x19: {  	v18 =	vld [tilespmem:s17+$0x10]  }
0x1a: {  	v19 =	vld [tilespmem:s17+$0x20]  }
0x1b: {  	v20 =	vld [tilespmem:s17+$0x30]  }
0x1c: {  	v21 =	vld [tilespmem:s17+$0x40]  }
0x1d: {  	v22 =	vld [tilespmem:s17+$0x50]  }
0x1e: {  	v23 =	vld [tilespmem:s17+$0x60]  }
0x1f: {  	v24 =	vld [tilespmem:s17+$0x70]  }
0x20: {  	v25 =	vld [tilespmem:s17+$0x80]  }
0x21: {  	v26 =	vld [tilespmem:s17+$0x90]  }
0x22: {  	v27 =	vld [tilespmem:s17+$0xA0]  }
0x23: {  	v28 =	vld [tilespmem:s17+$0xB0]  }
0x24: {  	v29 =	vld [tilespmem:s17+$0xC0]  }
0x25: {  	v30 =	vld [tilespmem:s17+$0xD0]  }
0x26: {  	v31 =	vld [tilespmem:s17+$0xE0]  }
0x27: {  	v32 =	vld [tilespmem:s17+$0xF0];
	v17 =	vshll.u32 v17, $0x7  }
0x28: {  	v18 =	vshll.u32 v18, $0x7;
	v19 =	vshll.u32 v19, $0x7;
	v20 =	vshll.u32 v20, $0x7  }
0x29: {  	v21 =	vshll.u32 v21, $0x7;
	v22 =	vshll.u32 v22, $0x7;
	v23 =	vshll.u32 v23, $0x7  }
0x2a: {  	v24 =	vshll.u32 v24, $0x7;
	v25 =	vshll.u32 v25, $0x7;
	v26 =	vshll.u32 v26, $0x7  }
0x2b: {  	v27 =	vshll.u32 v27, $0x7;
	v28 =	vshll.u32 v28, $0x7;
	v29 =	vshll.u32 v29, $0x7  }
0x2c: {  	s18 =	simm.s32 $0x0;
	v30 =	vshll.u32 v30, $0x7;
	v31 =	vshll.u32 v31, $0x7;
	v32 =	vshll.u32 v32, $0x7  }
.LBB2_3:
0x2d: {  	v33 =	vadd.s32 s18, v0;
	s19 =	sadd.s32 $0x1, s18  }
0x2e: {  	v33 =	vand.u32 $0x7F, v33;
	v34 =	vadd.s32 s19, v0  }
0x2f: {  	v35 =	vor.u32 v17, v33;
	v38 =	vand.u32 $0x7F, v34  }
0x30: {  	v34 =	vor.u32 v17, v38;
	_ =	sdelay $0x3  }
0x31: {  	v36 =	vor.u32 v1, v33;
	v35 =	vld.idx.msk [tilespmem:v35+s8+$0x0], $0xffff  }
0x32: {  	v37 =	vor.u32 v18, v33;
	v39 =	vor.u32 v1, v38;
	v34 =	vld.idx.msk [tilespmem:v34+s8+$0x0], $0xffff  }
0x33: {  	v40 =	vor.u32 v18, v38;
	_ =	sdelay $0x2  }
0x34: {  	[tilespmem:v36+s11+$0x0] =	vst.idx.msk $0xffff, v35  }
0x35: {  	v62 =	vor.u32 v2, v33;
	v35 =	vld.idx.msk [tilespmem:v37+s8+$0x0], $0xffff;
	[tilespmem:v39+s11+$0x0] =	vst.idx.msk $0xffff, v34  }
0x36: {  	v63 =	vor.u32 v19, v33;
	v45 =	vor.u32 v2, v38;
	v44 =	vld.idx.msk [tilespmem:v40+s8+$0x0], $0xffff  }
0x37: {  	v46 =	vor.u32 v19, v38;
	_ =	sdelay $0x2  }
0x38: {  	[tilespmem:v62+s11+$0x0] =	vst.idx.msk $0xffff, v35  }
0x39: {  	v47 =	vor.u32 v3, v33;
	v34 =	vld.idx.msk [tilespmem:v63+s8+$0x0], $0xffff;
	[tilespmem:v45+s11+$0x0] =	vst.idx.msk $0xffff, v44  }
0x3a: {  	v48 =	vor.u32 v20, v33;
	v49 =	vor.u32 v3, v38;
	v37 =	vld.idx.msk [tilespmem:v46+s8+$0x0], $0xffff  }
0x3b: {  	v50 =	vor.u32 v20, v38;
	_ =	sdelay $0x2  }
0x3c: {  	[tilespmem:v47+s11+$0x0] =	vst.idx.msk $0xffff, v34  }
0x3d: {  	v51 =	vor.u32 v4, v33;
	v34 =	vld.idx.msk [tilespmem:v48+s8+$0x0], $0xffff;
	[tilespmem:v49+s11+$0x0] =	vst.idx.msk $0xffff, v37  }
0x3e: {  	v52 =	vor.u32 v21, v33;
	v53 =	vor.u32 v4, v38;
	v37 =	vld.idx.msk [tilespmem:v50+s8+$0x0], $0xffff  }
0x3f: {  	v54 =	vor.u32 v21, v38;
	_ =	sdelay $0x2  }
0x40: {  	[tilespmem:v51+s11+$0x0] =	vst.idx.msk $0xffff, v34  }
0x41: {  	v55 =	vor.u32 v5, v33;
	v34 =	vld.idx.msk [tilespmem:v52+s8+$0x0], $0xffff;
	[tilespmem:v53+s11+$0x0] =	vst.idx.msk $0xffff, v37  }
0x42: {  	v56 =	vor.u32 v22, v33;
	v57 =	vor.u32 v5, v38;
	v37 =	vld.idx.msk [tilespmem:v54+s8+$0x0], $0xffff  }
0x43: {  	v58 =	vor.u32 v22, v38;
	_ =	sdelay $0x2  }
0x44: {  	[tilespmem:v55+s11+$0x0] =	vst.idx.msk $0xffff, v34  }
0x45: {  	v59 =	vor.u32 v6, v33;
	v34 =	vld.idx.msk [tilespmem:v56+s8+$0x0], $0xffff;
	[tilespmem:v57+s11+$0x0] =	vst.idx.msk $0xffff, v37  }
0x46: {  	v60 =	vor.u32 v23, v33;
	v61 =	vor.u32 v6, v38;
	v37 =	vld.idx.msk [tilespmem:v58+s8+$0x0], $0xffff  }
0x47: {  	v62 =	vor.u32 v23, v38;
	_ =	sdelay $0x2  }
0x48: {  	[tilespmem:v59+s11+$0x0] =	vst.idx.msk $0xffff, v34  }
0x49: {  	v63 =	vor.u32 v7, v33;
	v34 =	vld.idx.msk [tilespmem:v60+s8+$0x0], $0xffff;
	[tilespmem:v61+s11+$0x0] =	vst.idx.msk $0xffff, v37  }
0x4a: {  	v44 =	vor.u32 v24, v33;
	v45 =	vor.u32 v7, v38;
	v37 =	vld.idx.msk [tilespmem:v62+s8+$0x0], $0xffff  }
0x4b: {  	v46 =	vor.u32 v24, v38;
	_ =	sdelay $0x2  }
0x4c: {  	[tilespmem:v63+s11+$0x0] =	vst.idx.msk $0xffff, v34  }
0x4d: {  	v47 =	vor.u32 v8, v33;
	v34 =	vld.idx.msk [tilespmem:v44+s8+$0x0], $0xffff;
	[tilespmem:v45+s11+$0x0] =	vst.idx.msk $0xffff, v37  }
0x4e: {  	v48 =	vor.u32 v25, v33;
	v49 =	vor.u32 v8, v38;
	v37 =	vld.idx.msk [tilespmem:v46+s8+$0x0], $0xffff  }
0x4f: {  	v50 =	vor.u32 v25, v38;
	_ =	sdelay $0x2  }
0x50: {  	[tilespmem:v47+s11+$0x0] =	vst.idx.msk $0xffff, v34  }
0x51: {  	v51 =	vor.u32 v9, v33;
	v34 =	vld.idx.msk [tilespmem:v48+s8+$0x0], $0xffff;
	[tilespmem:v49+s11+$0x0] =	vst.idx.msk $0xffff, v37  }
0x52: {  	v52 =	vor.u32 v26, v33;
	v53 =	vor.u32 v9, v38;
	v37 =	vld.idx.msk [tilespmem:v50+s8+$0x0], $0xffff  }
0x53: {  	v54 =	vor.u32 v26, v38;
	_ =	sdelay $0x2  }
0x54: {  	[tilespmem:v51+s11+$0x0] =	vst.idx.msk $0xffff, v34  }
0x55: {  	v55 =	vor.u32 v10, v33;
	v34 =	vld.idx.msk [tilespmem:v52+s8+$0x0], $0xffff;
	[tilespmem:v53+s11+$0x0] =	vst.idx.msk $0xffff, v37  }
0x56: {  	v56 =	vor.u32 v27, v33;
	v57 =	vor.u32 v10, v38;
	v37 =	vld.idx.msk [tilespmem:v54+s8+$0x0], $0xffff  }
0x57: {  	v58 =	vor.u32 v27, v38;
	_ =	sdelay $0x2  }
0x58: {  	[tilespmem:v55+s11+$0x0] =	vst.idx.msk $0xffff, v34  }
0x59: {  	v59 =	vor.u32 v11, v33;
	v34 =	vld.idx.msk [tilespmem:v56+s8+$0x0], $0xffff;
	[tilespmem:v57+s11+$0x0] =	vst.idx.msk $0xffff, v37  }
0x5a: {  	v60 =	vor.u32 v28, v33;
	v61 =	vor.u32 v11, v38;
	v37 =	vld.idx.msk [tilespmem:v58+s8+$0x0], $0xffff  }
0x5b: {  	v62 =	vor.u32 v28, v38;
	_ =	sdelay $0x2  }
0x5c: {  	[tilespmem:v59+s11+$0x0] =	vst.idx.msk $0xffff, v34  }
0x5d: {  	v63 =	vor.u32 v12, v33;
	v34 =	vld.idx.msk [tilespmem:v60+s8+$0x0], $0xffff;
	[tilespmem:v61+s11+$0x0] =	vst.idx.msk $0xffff, v37  }
0x5e: {  	v44 =	vor.u32 v29, v33;
	v45 =	vor.u32 v12, v38;
	v37 =	vld.idx.msk [tilespmem:v62+s8+$0x0], $0xffff  }
0x5f: {  	v46 =	vor.u32 v29, v38;
	_ =	sdelay $0x2  }
0x60: {  	[tilespmem:v63+s11+$0x0] =	vst.idx.msk $0xffff, v34  }
0x61: {  	v47 =	vor.u32 v13, v33;
	v34 =	vld.idx.msk [tilespmem:v44+s8+$0x0], $0xffff;
	[tilespmem:v45+s11+$0x0] =	vst.idx.msk $0xffff, v37  }
0x62: {  	v48 =	vor.u32 v30, v33;
	v49 =	vor.u32 v13, v38;
	v37 =	vld.idx.msk [tilespmem:v46+s8+$0x0], $0xffff  }
0x63: {  	v50 =	vor.u32 v30, v38;
	_ =	sdelay $0x2  }
0x64: {  	[tilespmem:v47+s11+$0x0] =	vst.idx.msk $0xffff, v34  }
0x65: {  	v51 =	vor.u32 v14, v33;
	v34 =	vld.idx.msk [tilespmem:v48+s8+$0x0], $0xffff;
	[tilespmem:v49+s11+$0x0] =	vst.idx.msk $0xffff, v37  }
0x66: {  	v52 =	vor.u32 v31, v33;
	v53 =	vor.u32 v14, v38;
	v37 =	vld.idx.msk [tilespmem:v50+s8+$0x0], $0xffff  }
0x67: {  	v54 =	vor.u32 v31, v38;
	_ =	sdelay $0x2  }
0x68: {  	[tilespmem:v51+s11+$0x0] =	vst.idx.msk $0xffff, v34  }
0x69: {  	s25 =	sadd.s32 $0x2, s18;
	v41 =	vor.u32 v15, v33;
	v42 =	vor.u32 v32, v33;
	v36 =	vld.idx.msk [tilespmem:v52+s8+$0x0], $0xffff;
	[tilespmem:v53+s11+$0x0] =	vst.idx.msk $0xffff, v37  }
0x6a: {  	s26 =	sadd.s32 $0x3, s18;
	v43 =	vor.u32 v32, v38;
	v55 =	vor.u32 v15, v38;
	v56 =	vadd.s32 s25, v0;
	v37 =	vld.idx.msk [tilespmem:v54+s8+$0x0], $0xffff  }
0x6b: {  	s28 =	sadd.s32 $0x4, s18;
	v39 =	vor.u32 v16, v33;
	v57 =	vadd.s32 s26, v0;
	v33 =	vand.u32 $0x7F, v56  }
0x6c: {  	s29 =	sadd.s32 $0x5, s18;
	v58 =	vadd.s32 s28, v0;
	v44 =	vor.u32 v17, v33;
	v34 =	vand.u32 $0x7F, v57  }
0x6d: {  	s30 =	sadd.s32 $0x6, s18;
	v35 =	vand.u32 $0x7F, v58;
	v46 =	vadd.s32 s29, v0;
	v45 =	vor.u32 v17, v34  }
0x6e: {  	s31 =	sadd.s32 $0x7, s18;
	v59 =	vor.u32 v17, v35;
	v60 =	vadd.s32 s30, v0;
	[tilespmem:v41+s11+$0x0] =	vst.idx.msk $0xffff, v36;
	v36 =	vand.u32 $0x7F, v46  }
0x6f: {  	v62 =	vadd.s32 s31, v0;
	v42 =	vld.idx.msk [tilespmem:v42+s8+$0x0], $0xffff;
	[tilespmem:v55+s11+$0x0] =	vst.idx.msk $0xffff, v37;
	v61 =	vor.u32 v17, v36;
	v37 =	vand.u32 $0x7F, v60  }
0x70: {  	v47 =	vor.u32 v16, v38;
	v38 =	vand.u32 $0x7F, v62;
	v43 =	vld.idx.msk [tilespmem:v43+s8+$0x0], $0xffff;
	v48 =	vor.u32 v17, v37  }
0x71: {  	v63 =	vor.u32 v1, v33;
	v44 =	vld.idx.msk [tilespmem:v44+s8+$0x0], $0xffff;
	v49 =	vor.u32 v17, v38  }
0x72: {  	v50 =	vor.u32 v18, v33;
	v51 =	vor.u32 v1, v34;
	v45 =	vld.idx.msk [tilespmem:v45+s8+$0x0], $0xffff  }
0x73: {  	v52 =	vor.u32 v18, v34;
	v53 =	vor.u32 v1, v35;
	v41 =	vld.idx.msk [tilespmem:v59+s8+$0x0], $0xffff  }
0x74: {  	v56 =	vor.u32 v1, v36;
	[tilespmem:v39+s11+$0x0] =	vst.idx.msk $0xffff, v42;
	v39 =	vor.u32 v18, v35;
	v40 =	vld.idx.msk [tilespmem:v61+s8+$0x0], $0xffff  }
0x75: {  	v58 =	vor.u32 v1, v37;
	[tilespmem:v47+s11+$0x0] =	vst.idx.msk $0xffff, v43;
	v43 =	vor.u32 v18, v36;
	v57 =	vld.idx.msk [tilespmem:v48+s8+$0x0], $0xffff  }
0x76: {  	[tilespmem:v63+s11+$0x0] =	vst.idx.msk $0xffff, v44;
	v46 =	vld.idx.msk [tilespmem:v49+s8+$0x0], $0xffff;
	v59 =	vor.u32 v1, v38;
	v44 =	vor.u32 v18, v37  }
0x77: {  	v50 =	vld.idx.msk [tilespmem:v50+s8+$0x0], $0xffff;
	v60 =	vor.u32 v18, v38;
	[tilespmem:v51+s11+$0x0] =	vst.idx.msk $0xffff, v45;
	v45 =	vor.u32 v2, v33  }
0x78: {  	v62 =	vor.u32 v2, v34;
	[tilespmem:v53+s11+$0x0] =	vst.idx.msk $0xffff, v41;
	v61 =	vor.u32 v19, v33;
	v52 =	vld.idx.msk [tilespmem:v52+s8+$0x0], $0xffff  }
0x79: {  	v63 =	vor.u32 v19, v34;
	[tilespmem:v56+s11+$0x0] =	vst.idx.msk $0xffff, v40;
	v39 =	vld.idx.msk [tilespmem:v39+s8+$0x0], $0xffff;
	v56 =	vor.u32 v2, v35  }
0x7a: {  	[tilespmem:v58+s11+$0x0] =	vst.idx.msk $0xffff, v57;
	v57 =	vor.u32 v19, v35;
	v43 =	vld.idx.msk [tilespmem:v43+s8+$0x0], $0xffff;
	v58 =	vor.u32 v2, v36  }
0x7b: {  	[tilespmem:v59+s11+$0x0] =	vst.idx.msk $0xffff, v46;
	v46 =	vor.u32 v19, v36;
	v59 =	vor.u32 v2, v37;
	v44 =	vld.idx.msk [tilespmem:v44+s8+$0x0], $0xffff  }
0x7c: {  	[tilespmem:v45+s11+$0x0] =	vst.idx.msk $0xffff, v50;
	v45 =	vor.u32 v19, v37;
	v50 =	vld.idx.msk [tilespmem:v60+s8+$0x0], $0xffff;
	v60 =	vor.u32 v2, v38  }
0x7d: {  	v41 =	vld.idx.msk [tilespmem:v61+s8+$0x0], $0xffff;
	[tilespmem:v62+s11+$0x0] =	vst.idx.msk $0xffff, v52;
	v52 =	vor.u32 v3, v33;
	v61 =	vor.u32 v19, v38  }
0x7e: {  	v62 =	vor.u32 v20, v33;
	v40 =	vld.idx.msk [tilespmem:v63+s8+$0x0], $0xffff;
	v63 =	vor.u32 v3, v34;
	[tilespmem:v56+s11+$0x0] =	vst.idx.msk $0xffff, v39  }
0x7f: {  	v56 =	vor.u32 v20, v34;
	[tilespmem:v58+s11+$0x0] =	vst.idx.msk $0xffff, v43;
	v47 =	vld.idx.msk [tilespmem:v57+s8+$0x0], $0xffff;
	v57 =	vor.u32 v3, v35  }
0x80: {  	v58 =	vor.u32 v20, v35;
	[tilespmem:v59+s11+$0x0] =	vst.idx.msk $0xffff, v44;
	v46 =	vld.idx.msk [tilespmem:v46+s8+$0x0], $0xffff;
	v59 =	vor.u32 v3, v36  }
0x81: {  	[tilespmem:v60+s11+$0x0] =	vst.idx.msk $0xffff, v50;
	v50 =	vor.u32 v20, v36;
	v60 =	vor.u32 v3, v37;
	v45 =	vld.idx.msk [tilespmem:v45+s8+$0x0], $0xffff  }
0x82: {  	[tilespmem:v52+s11+$0x0] =	vst.idx.msk $0xffff, v41;
	v41 =	vor.u32 v20, v37;
	v52 =	vld.idx.msk [tilespmem:v61+s8+$0x0], $0xffff;
	v61 =	vor.u32 v3, v38  }
0x83: {  	v39 =	vld.idx.msk [tilespmem:v62+s8+$0x0], $0xffff;
	[tilespmem:v63+s11+$0x0] =	vst.idx.msk $0xffff, v40;
	v40 =	vor.u32 v4, v33;
	v62 =	vor.u32 v20, v38  }
0x84: {  	v63 =	vor.u32 v21, v33;
	v43 =	vld.idx.msk [tilespmem:v56+s8+$0x0], $0xffff;
	v56 =	vor.u32 v4, v34;
	[tilespmem:v57+s11+$0x0] =	vst.idx.msk $0xffff, v47  }
0x85: {  	v57 =	vor.u32 v21, v34;
	[tilespmem:v59+s11+$0x0] =	vst.idx.msk $0xffff, v46;
	v44 =	vld.idx.msk [tilespmem:v58+s8+$0x0], $0xffff;
	v58 =	vor.u32 v4, v35  }
0x86: {  	v59 =	vor.u32 v21, v35;
	[tilespmem:v60+s11+$0x0] =	vst.idx.msk $0xffff, v45;
	v50 =	vld.idx.msk [tilespmem:v50+s8+$0x0], $0xffff;
	v60 =	vor.u32 v4, v36  }
0x87: {  	[tilespmem:v61+s11+$0x0] =	vst.idx.msk $0xffff, v52;
	v52 =	vor.u32 v21, v36;
	v61 =	vor.u32 v4, v37;
	v41 =	vld.idx.msk [tilespmem:v41+s8+$0x0], $0xffff  }
0x88: {  	[tilespmem:v40+s11+$0x0] =	vst.idx.msk $0xffff, v39;
	v39 =	vor.u32 v21, v37;
	v40 =	vld.idx.msk [tilespmem:v62+s8+$0x0], $0xffff;
	v62 =	vor.u32 v4, v38  }
0x89: {  	v47 =	vld.idx.msk [tilespmem:v63+s8+$0x0], $0xffff;
	v63 =	vor.u32 v21, v38;
	[tilespmem:v56+s11+$0x0] =	vst.idx.msk $0xffff, v43;
	v43 =	vor.u32 v5, v33  }
0x8a: {  	v56 =	vor.u32 v22, v33;
	v46 =	vld.idx.msk [tilespmem:v57+s8+$0x0], $0xffff;
	v57 =	vor.u32 v5, v34;
	[tilespmem:v58+s11+$0x0] =	vst.idx.msk $0xffff, v44  }
0x8b: {  	v58 =	vor.u32 v22, v34;
	[tilespmem:v60+s11+$0x0] =	vst.idx.msk $0xffff, v50;
	v45 =	vld.idx.msk [tilespmem:v59+s8+$0x0], $0xffff;
	v59 =	vor.u32 v5, v35  }
0x8c: {  	v60 =	vor.u32 v22, v35;
	[tilespmem:v61+s11+$0x0] =	vst.idx.msk $0xffff, v41;
	v52 =	vld.idx.msk [tilespmem:v52+s8+$0x0], $0xffff;
	v61 =	vor.u32 v5, v36  }
0x8d: {  	[tilespmem:v62+s11+$0x0] =	vst.idx.msk $0xffff, v40;
	v40 =	vor.u32 v22, v36;
	v62 =	vor.u32 v5, v37;
	v39 =	vld.idx.msk [tilespmem:v39+s8+$0x0], $0xffff  }
0x8e: {  	[tilespmem:v43+s11+$0x0] =	vst.idx.msk $0xffff, v47;
	v43 =	vor.u32 v22, v37;
	v47 =	vld.idx.msk [tilespmem:v63+s8+$0x0], $0xffff;
	v63 =	vor.u32 v5, v38  }
0x8f: {  	v44 =	vld.idx.msk [tilespmem:v56+s8+$0x0], $0xffff;
	[tilespmem:v57+s11+$0x0] =	vst.idx.msk $0xffff, v46;
	v46 =	vor.u32 v6, v33;
	v56 =	vor.u32 v22, v38  }
0x90: {  	v57 =	vor.u32 v23, v33;
	v50 =	vld.idx.msk [tilespmem:v58+s8+$0x0], $0xffff;
	v58 =	vor.u32 v6, v34;
	[tilespmem:v59+s11+$0x0] =	vst.idx.msk $0xffff, v45  }
0x91: {  	v59 =	vor.u32 v23, v34;
	[tilespmem:v61+s11+$0x0] =	vst.idx.msk $0xffff, v52;
	v41 =	vld.idx.msk [tilespmem:v60+s8+$0x0], $0xffff;
	v60 =	vor.u32 v6, v35  }
0x92: {  	v61 =	vor.u32 v23, v35;
	[tilespmem:v62+s11+$0x0] =	vst.idx.msk $0xffff, v39;
	v40 =	vld.idx.msk [tilespmem:v40+s8+$0x0], $0xffff;
	v62 =	vor.u32 v6, v36  }
0x93: {  	[tilespmem:v63+s11+$0x0] =	vst.idx.msk $0xffff, v47;
	v47 =	vor.u32 v23, v36;
	v63 =	vor.u32 v6, v37;
	v43 =	vld.idx.msk [tilespmem:v43+s8+$0x0], $0xffff  }
0x94: {  	[tilespmem:v46+s11+$0x0] =	vst.idx.msk $0xffff, v44;
	v44 =	vor.u32 v23, v37;
	v46 =	vld.idx.msk [tilespmem:v56+s8+$0x0], $0xffff;
	v56 =	vor.u32 v6, v38  }
0x95: {  	v45 =	vld.idx.msk [tilespmem:v57+s8+$0x0], $0xffff;
	[tilespmem:v58+s11+$0x0] =	vst.idx.msk $0xffff, v50;
	v50 =	vor.u32 v7, v33;
	v57 =	vor.u32 v23, v38  }
0x96: {  	v58 =	vor.u32 v24, v33;
	v52 =	vld.idx.msk [tilespmem:v59+s8+$0x0], $0xffff;
	v59 =	vor.u32 v7, v34;
	[tilespmem:v60+s11+$0x0] =	vst.idx.msk $0xffff, v41  }
0x97: {  	v60 =	vor.u32 v24, v34;
	[tilespmem:v62+s11+$0x0] =	vst.idx.msk $0xffff, v40;
	v39 =	vld.idx.msk [tilespmem:v61+s8+$0x0], $0xffff;
	v61 =	vor.u32 v7, v35  }
0x98: {  	v62 =	vor.u32 v24, v35;
	[tilespmem:v63+s11+$0x0] =	vst.idx.msk $0xffff, v43;
	v47 =	vld.idx.msk [tilespmem:v47+s8+$0x0], $0xffff;
	v63 =	vor.u32 v7, v36  }
0x99: {  	[tilespmem:v56+s11+$0x0] =	vst.idx.msk $0xffff, v46;
	v46 =	vor.u32 v24, v36;
	v56 =	vor.u32 v7, v37;
	v44 =	vld.idx.msk [tilespmem:v44+s8+$0x0], $0xffff  }
0x9a: {  	[tilespmem:v50+s11+$0x0] =	vst.idx.msk $0xffff, v45;
	v45 =	vor.u32 v24, v37;
	v50 =	vld.idx.msk [tilespmem:v57+s8+$0x0], $0xffff;
	v57 =	vor.u32 v7, v38  }
0x9b: {  	v41 =	vld.idx.msk [tilespmem:v58+s8+$0x0], $0xffff;
	[tilespmem:v59+s11+$0x0] =	vst.idx.msk $0xffff, v52;
	v52 =	vor.u32 v8, v33;
	v58 =	vor.u32 v24, v38  }
0x9c: {  	v59 =	vor.u32 v25, v33;
	v40 =	vld.idx.msk [tilespmem:v60+s8+$0x0], $0xffff;
	v60 =	vor.u32 v8, v34;
	[tilespmem:v61+s11+$0x0] =	vst.idx.msk $0xffff, v39  }
0x9d: {  	v61 =	vor.u32 v25, v34;
	[tilespmem:v63+s11+$0x0] =	vst.idx.msk $0xffff, v47;
	v43 =	vld.idx.msk [tilespmem:v62+s8+$0x0], $0xffff;
	v62 =	vor.u32 v8, v35  }
0x9e: {  	v63 =	vor.u32 v25, v35;
	[tilespmem:v56+s11+$0x0] =	vst.idx.msk $0xffff, v44;
	v46 =	vld.idx.msk [tilespmem:v46+s8+$0x0], $0xffff;
	v56 =	vor.u32 v8, v36  }
0x9f: {  	[tilespmem:v57+s11+$0x0] =	vst.idx.msk $0xffff, v50;
	v50 =	vor.u32 v25, v36;
	v57 =	vor.u32 v8, v37;
	v45 =	vld.idx.msk [tilespmem:v45+s8+$0x0], $0xffff  }
0xa0: {  	[tilespmem:v52+s11+$0x0] =	vst.idx.msk $0xffff, v41;
	v41 =	vor.u32 v25, v37;
	v52 =	vld.idx.msk [tilespmem:v58+s8+$0x0], $0xffff;
	v58 =	vor.u32 v8, v38  }
0xa1: {  	v39 =	vld.idx.msk [tilespmem:v59+s8+$0x0], $0xffff;
	[tilespmem:v60+s11+$0x0] =	vst.idx.msk $0xffff, v40;
	v40 =	vor.u32 v9, v33;
	v59 =	vor.u32 v25, v38  }
0xa2: {  	v60 =	vor.u32 v26, v33;
	v47 =	vld.idx.msk [tilespmem:v61+s8+$0x0], $0xffff;
	v61 =	vor.u32 v9, v34;
	[tilespmem:v62+s11+$0x0] =	vst.idx.msk $0xffff, v43  }
0xa3: {  	v62 =	vor.u32 v26, v34;
	[tilespmem:v56+s11+$0x0] =	vst.idx.msk $0xffff, v46;
	v44 =	vld.idx.msk [tilespmem:v63+s8+$0x0], $0xffff;
	v63 =	vor.u32 v9, v35  }
0xa4: {  	v56 =	vor.u32 v26, v35;
	[tilespmem:v57+s11+$0x0] =	vst.idx.msk $0xffff, v45;
	v50 =	vld.idx.msk [tilespmem:v50+s8+$0x0], $0xffff;
	v57 =	vor.u32 v9, v36  }
0xa5: {  	[tilespmem:v58+s11+$0x0] =	vst.idx.msk $0xffff, v52;
	v52 =	vor.u32 v26, v36;
	v58 =	vor.u32 v9, v37;
	v41 =	vld.idx.msk [tilespmem:v41+s8+$0x0], $0xffff  }
0xa6: {  	[tilespmem:v40+s11+$0x0] =	vst.idx.msk $0xffff, v39;
	v39 =	vor.u32 v26, v37;
	v40 =	vld.idx.msk [tilespmem:v59+s8+$0x0], $0xffff;
	v59 =	vor.u32 v9, v38  }
0xa7: {  	v43 =	vld.idx.msk [tilespmem:v60+s8+$0x0], $0xffff;
	[tilespmem:v61+s11+$0x0] =	vst.idx.msk $0xffff, v47;
	v47 =	vor.u32 v10, v33;
	v60 =	vor.u32 v26, v38  }
0xa8: {  	v61 =	vor.u32 v27, v33;
	v46 =	vld.idx.msk [tilespmem:v62+s8+$0x0], $0xffff;
	v62 =	vor.u32 v10, v34;
	[tilespmem:v63+s11+$0x0] =	vst.idx.msk $0xffff, v44  }
0xa9: {  	v63 =	vor.u32 v27, v34;
	[tilespmem:v57+s11+$0x0] =	vst.idx.msk $0xffff, v50;
	v45 =	vld.idx.msk [tilespmem:v56+s8+$0x0], $0xffff;
	v56 =	vor.u32 v10, v35  }
0xaa: {  	v57 =	vor.u32 v27, v35;
	[tilespmem:v58+s11+$0x0] =	vst.idx.msk $0xffff, v41;
	v52 =	vld.idx.msk [tilespmem:v52+s8+$0x0], $0xffff;
	v58 =	vor.u32 v10, v36  }
0xab: {  	[tilespmem:v59+s11+$0x0] =	vst.idx.msk $0xffff, v40;
	v40 =	vor.u32 v27, v36;
	v59 =	vor.u32 v10, v37;
	v39 =	vld.idx.msk [tilespmem:v39+s8+$0x0], $0xffff  }
0xac: {  	[tilespmem:v47+s11+$0x0] =	vst.idx.msk $0xffff, v43;
	v43 =	vor.u32 v27, v37;
	v47 =	vld.idx.msk [tilespmem:v60+s8+$0x0], $0xffff;
	v60 =	vor.u32 v10, v38  }
0xad: {  	v44 =	vld.idx.msk [tilespmem:v61+s8+$0x0], $0xffff;
	[tilespmem:v62+s11+$0x0] =	vst.idx.msk $0xffff, v46;
	v46 =	vor.u32 v11, v33;
	v61 =	vor.u32 v27, v38  }
0xae: {  	v62 =	vor.u32 v28, v33;
	v50 =	vld.idx.msk [tilespmem:v63+s8+$0x0], $0xffff;
	v63 =	vor.u32 v11, v34;
	[tilespmem:v56+s11+$0x0] =	vst.idx.msk $0xffff, v45  }
0xaf: {  	v56 =	vor.u32 v28, v34;
	[tilespmem:v58+s11+$0x0] =	vst.idx.msk $0xffff, v52;
	v41 =	vld.idx.msk [tilespmem:v57+s8+$0x0], $0xffff;
	v57 =	vor.u32 v11, v35  }
0xb0: {  	v58 =	vor.u32 v28, v35;
	[tilespmem:v59+s11+$0x0] =	vst.idx.msk $0xffff, v39;
	v40 =	vld.idx.msk [tilespmem:v40+s8+$0x0], $0xffff;
	v59 =	vor.u32 v11, v36  }
0xb1: {  	[tilespmem:v60+s11+$0x0] =	vst.idx.msk $0xffff, v47;
	v47 =	vor.u32 v28, v36;
	v60 =	vor.u32 v11, v37;
	v43 =	vld.idx.msk [tilespmem:v43+s8+$0x0], $0xffff  }
0xb2: {  	[tilespmem:v46+s11+$0x0] =	vst.idx.msk $0xffff, v44;
	v44 =	vor.u32 v28, v37;
	v46 =	vld.idx.msk [tilespmem:v61+s8+$0x0], $0xffff;
	v61 =	vor.u32 v11, v38  }
0xb3: {  	v45 =	vld.idx.msk [tilespmem:v62+s8+$0x0], $0xffff;
	[tilespmem:v63+s11+$0x0] =	vst.idx.msk $0xffff, v50;
	v50 =	vor.u32 v12, v33;
	v62 =	vor.u32 v28, v38  }
0xb4: {  	v63 =	vor.u32 v29, v33;
	v52 =	vld.idx.msk [tilespmem:v56+s8+$0x0], $0xffff;
	v56 =	vor.u32 v12, v34;
	[tilespmem:v57+s11+$0x0] =	vst.idx.msk $0xffff, v41  }
0xb5: {  	v57 =	vor.u32 v29, v34;
	[tilespmem:v59+s11+$0x0] =	vst.idx.msk $0xffff, v40;
	v39 =	vld.idx.msk [tilespmem:v58+s8+$0x0], $0xffff;
	v58 =	vor.u32 v12, v35  }
0xb6: {  	v59 =	vor.u32 v29, v35;
	[tilespmem:v60+s11+$0x0] =	vst.idx.msk $0xffff, v43;
	v47 =	vld.idx.msk [tilespmem:v47+s8+$0x0], $0xffff;
	v60 =	vor.u32 v12, v36  }
0xb7: {  	[tilespmem:v61+s11+$0x0] =	vst.idx.msk $0xffff, v46;
	v46 =	vor.u32 v29, v36;
	v61 =	vor.u32 v12, v37;
	v44 =	vld.idx.msk [tilespmem:v44+s8+$0x0], $0xffff  }
0xb8: {  	[tilespmem:v50+s11+$0x0] =	vst.idx.msk $0xffff, v45;
	v45 =	vor.u32 v29, v37;
	v50 =	vld.idx.msk [tilespmem:v62+s8+$0x0], $0xffff;
	v62 =	vor.u32 v12, v38  }
0xb9: {  	v41 =	vld.idx.msk [tilespmem:v63+s8+$0x0], $0xffff;
	[tilespmem:v56+s11+$0x0] =	vst.idx.msk $0xffff, v52;
	v52 =	vor.u32 v13, v33;
	v63 =	vor.u32 v29, v38  }
0xba: {  	v56 =	vor.u32 v30, v33;
	v40 =	vld.idx.msk [tilespmem:v57+s8+$0x0], $0xffff;
	v57 =	vor.u32 v13, v34;
	[tilespmem:v58+s11+$0x0] =	vst.idx.msk $0xffff, v39  }
0xbb: {  	v58 =	vor.u32 v30, v34;
	[tilespmem:v60+s11+$0x0] =	vst.idx.msk $0xffff, v47;
	v43 =	vld.idx.msk [tilespmem:v59+s8+$0x0], $0xffff;
	v59 =	vor.u32 v13, v35  }
0xbc: {  	v60 =	vor.u32 v30, v35;
	[tilespmem:v61+s11+$0x0] =	vst.idx.msk $0xffff, v44;
	v46 =	vld.idx.msk [tilespmem:v46+s8+$0x0], $0xffff;
	v61 =	vor.u32 v13, v36  }
0xbd: {  	[tilespmem:v62+s11+$0x0] =	vst.idx.msk $0xffff, v50;
	v50 =	vor.u32 v30, v36;
	v62 =	vor.u32 v13, v37;
	v45 =	vld.idx.msk [tilespmem:v45+s8+$0x0], $0xffff  }
0xbe: {  	[tilespmem:v52+s11+$0x0] =	vst.idx.msk $0xffff, v41;
	v41 =	vor.u32 v30, v37;
	v52 =	vld.idx.msk [tilespmem:v63+s8+$0x0], $0xffff;
	v63 =	vor.u32 v13, v38  }
0xbf: {  	v39 =	vld.idx.msk [tilespmem:v56+s8+$0x0], $0xffff;
	[tilespmem:v57+s11+$0x0] =	vst.idx.msk $0xffff, v40;
	v40 =	vor.u32 v14, v33;
	v56 =	vor.u32 v30, v38  }
0xc0: {  	v57 =	vor.u32 v31, v33;
	v47 =	vld.idx.msk [tilespmem:v58+s8+$0x0], $0xffff;
	v58 =	vor.u32 v14, v34;
	[tilespmem:v59+s11+$0x0] =	vst.idx.msk $0xffff, v43  }
0xc1: {  	v59 =	vor.u32 v31, v34;
	[tilespmem:v61+s11+$0x0] =	vst.idx.msk $0xffff, v46;
	v44 =	vld.idx.msk [tilespmem:v60+s8+$0x0], $0xffff;
	v60 =	vor.u32 v14, v35  }
0xc2: {  	v61 =	vor.u32 v31, v35;
	[tilespmem:v62+s11+$0x0] =	vst.idx.msk $0xffff, v45;
	v50 =	vld.idx.msk [tilespmem:v50+s8+$0x0], $0xffff;
	v62 =	vor.u32 v14, v36  }
0xc3: {  	[tilespmem:v63+s11+$0x0] =	vst.idx.msk $0xffff, v52;
	v52 =	vor.u32 v31, v36;
	v63 =	vor.u32 v14, v37;
	v41 =	vld.idx.msk [tilespmem:v41+s8+$0x0], $0xffff  }
0xc4: {  	[tilespmem:v40+s11+$0x0] =	vst.idx.msk $0xffff, v39;
	v39 =	vor.u32 v31, v37;
	v40 =	vld.idx.msk [tilespmem:v56+s8+$0x0], $0xffff;
	v56 =	vor.u32 v14, v38  }
0xc5: {  	v43 =	vld.idx.msk [tilespmem:v57+s8+$0x0], $0xffff;
	[tilespmem:v58+s11+$0x0] =	vst.idx.msk $0xffff, v47;
	v57 =	vor.u32 v15, v33;
	v58 =	vor.u32 v31, v38  }
0xc6: {  	v46 =	vld.idx.msk [tilespmem:v59+s8+$0x0], $0xffff;
	v59 =	vor.u32 v15, v34;
	[tilespmem:v60+s11+$0x0] =	vst.idx.msk $0xffff, v44;
	v44 =	vor.u32 v32, v33  }
0xc7: {  	v60 =	vor.u32 v32, v34;
	[tilespmem:v62+s11+$0x0] =	vst.idx.msk $0xffff, v50;
	v45 =	vld.idx.msk [tilespmem:v61+s8+$0x0], $0xffff;
	v61 =	vor.u32 v15, v35  }
0xc8: {  	v62 =	vor.u32 v32, v35;
	[tilespmem:v63+s11+$0x0] =	vst.idx.msk $0xffff, v41;
	v52 =	vld.idx.msk [tilespmem:v52+s8+$0x0], $0xffff;
	v63 =	vor.u32 v15, v36  }
0xc9: {  	v54 =	vor.u32 v32, v36;
	v55 =	vor.u32 v15, v37;
	[tilespmem:v56+s11+$0x0] =	vst.idx.msk $0xffff, v40;
	v39 =	vld.idx.msk [tilespmem:v39+s8+$0x0], $0xffff  }
0xca: {  	v56 =	vor.u32 v32, v37;
	[tilespmem:v57+s11+$0x0] =	vst.idx.msk $0xffff, v43;
	v57 =	vld.idx.msk [tilespmem:v58+s8+$0x0], $0xffff;
	v58 =	vor.u32 v15, v38  }
0xcb: {  	v33 =	vor.u32 v16, v33;
	[tilespmem:v59+s11+$0x0] =	vst.idx.msk $0xffff, v46;
	v59 =	vor.u32 v32, v38;
	v44 =	vld.idx.msk [tilespmem:v44+s8+$0x0], $0xffff  }
0xcc: {  	v34 =	vor.u32 v16, v34;
	v60 =	vld.idx.msk [tilespmem:v60+s8+$0x0], $0xffff;
	[tilespmem:v61+s11+$0x0] =	vst.idx.msk $0xffff, v45  }
0xcd: {  	v35 =	vor.u32 v16, v35;
	[tilespmem:v63+s11+$0x0] =	vst.idx.msk $0xffff, v52;
	v41 =	vld.idx.msk [tilespmem:v62+s8+$0x0], $0xffff  }
0xce: {  	v36 =	vor.u32 v16, v36;
	[tilespmem:v55+s11+$0x0] =	vst.idx.msk $0xffff, v39;
	v61 =	vld.idx.msk [tilespmem:v54+s8+$0x0], $0xffff  }
0xcf: {  	v37 =	vor.u32 v16, v37;
	[tilespmem:v58+s11+$0x0] =	vst.idx.msk $0xffff, v57;
	v62 =	vld.idx.msk [tilespmem:v56+s8+$0x0], $0xffff  }
0xd0: {  	p1 =	slt.u32 s18, $0x78;
	v38 =	vor.u32 v16, v38;
	v63 =	vld.idx.msk [tilespmem:v59+s8+$0x0], $0xffff;
	[tilespmem:v33+s11+$0x0] =	vst.idx.msk $0xffff, v44  }
.Ltmp0:
0xd1: {  	[tilespmem:v34+s11+$0x0] =	vst.idx.msk $0xffff, v60;
	(pc) =	sbr.rel @p1 .LBB2_3-.Ltmp0, $4  }
0xd2: {  	[tilespmem:v35+s11+$0x0] =	vst.idx.msk $0xffff, v41  }
0xd3: {  	[tilespmem:v36+s11+$0x0] =	vst.idx.msk $0xffff, v61  }
0xd4: {  	[tilespmem:v37+s11+$0x0] =	vst.idx.msk $0xffff, v62  }
0xd5: {  	s18 =	sadd.s32 $0x8, s18;
	[tilespmem:v38+s11+$0x0] =	vst.idx.msk $0xffff, v63  }
0xd6: {  	s18 =	sadd.s32 s4, s17  }
0xd7: {  	s18 =	sshll.u32 s18, $0x4  }
0xd8: {  	s19 =	simm.s32 @!p0 $0x3;
	s18 =	sadd.s32 s3, s18  }
0xd9: {  	[hbm4b:s18+s5] =	stream.linear.scatter [tilespmem:s11], [sflag:$0x2], $0x8000, $0x38;
	[tilespmem:$0x16680] =	vst v63  }
0xda: {  	_ =	swait.ge @!p0 [sflag:s19], $0x8000  }
0xdb: {  	[sflag:s19] =	ssyncset.done @!p0 $0x0  }
0xdc: {  	s18 =	sor.u32 $0x100, s17;
	[sflag:s19] =	ssyncadd.s32 @!p0 $0xFFFF8000  }
0xdd: {  	v17 =	vld [tilespmem:s18+$0x0]  }
0xde: {  	v18 =	vld [tilespmem:s17+$0x110]  }
0xdf: {  	v19 =	vld [tilespmem:s17+$0x120]  }
0xe0: {  	v20 =	vld [tilespmem:s17+$0x130]  }
0xe1: {  	v21 =	vld [tilespmem:s17+$0x140]  }
0xe2: {  	v22 =	vld [tilespmem:s17+$0x150]  }
0xe3: {  	v23 =	vld [tilespmem:s17+$0x160]  }
0xe4: {  	v24 =	vld [tilespmem:s17+$0x170]  }
0xe5: {  	v25 =	vld [tilespmem:s17+$0x180]  }
0xe6: {  	v26 =	vld [tilespmem:s17+$0x190]  }
0xe7: {  	v27 =	vld [tilespmem:s17+$0x1A0]  }
0xe8: {  	v28 =	vld [tilespmem:s17+$0x1B0]  }
0xe9: {  	v29 =	vld [tilespmem:s17+$0x1C0]  }
0xea: {  	v30 =	vld [tilespmem:s17+$0x1D0]  }
0xeb: {  	v31 =	vld [tilespmem:s17+$0x1E0]  }
0xec: {  	v32 =	vld [tilespmem:s17+$0x1F0];
	v17 =	vshll.u32 v17, $0x7  }
0xed: {  	v18 =	vshll.u32 v18, $0x7;
	v19 =	vshll.u32 v19, $0x7;
	v20 =	vshll.u32 v20, $0x7  }
0xee: {  	v21 =	vshll.u32 v21, $0x7;
	v22 =	vshll.u32 v22, $0x7;
	v23 =	vshll.u32 v23, $0x7  }
0xef: {  	v24 =	vshll.u32 v24, $0x7;
	v25 =	vshll.u32 v25, $0x7;
	v26 =	vshll.u32 v26, $0x7  }
0xf0: {  	v27 =	vshll.u32 v27, $0x7;
	v28 =	vshll.u32 v28, $0x7;
	v29 =	vshll.u32 v29, $0x7  }
0xf1: {  	s17 =	simm.s32 $0x0;
	v30 =	vshll.u32 v30, $0x7;
	v31 =	vshll.u32 v31, $0x7;
	v32 =	vshll.u32 v32, $0x7  }
.LBB2_5:
0xf2: {  	v33 =	vadd.s32 s17, v0;
	s19 =	sadd.s32 $0x1, s17  }
0xf3: {  	v33 =	vand.u32 $0x7F, v33;
	v34 =	vadd.s32 s19, v0  }
0xf4: {  	v35 =	vor.u32 v17, v33;
	v38 =	vand.u32 $0x7F, v34  }
0xf5: {  	v34 =	vor.u32 v17, v38;
	_ =	sdelay $0x3  }
0xf6: {  	v36 =	vor.u32 v1, v33;
	v35 =	vld.idx.msk [tilespmem:v35+s8+$0x0], $0xffff  }
0xf7: {  	v37 =	vor.u32 v18, v33;
	v39 =	vor.u32 v1, v38;
	v34 =	vld.idx.msk [tilespmem:v34+s8+$0x0], $0xffff  }
0xf8: {  	v40 =	vor.u32 v18, v38;
	_ =	sdelay $0x2  }
0xf9: {  	[tilespmem:v36+s12+$0x0] =	vst.idx.msk $0xffff, v35  }
0xfa: {  	v62 =	vor.u32 v2, v33;
	v35 =	vld.idx.msk [tilespmem:v37+s8+$0x0], $0xffff;
	[tilespmem:v39+s12+$0x0] =	vst.idx.msk $0xffff, v34  }
0xfb: {  	v63 =	vor.u32 v19, v33;
	v45 =	vor.u32 v2, v38;
	v44 =	vld.idx.msk [tilespmem:v40+s8+$0x0], $0xffff  }
0xfc: {  	v46 =	vor.u32 v19, v38;
	_ =	sdelay $0x2  }
0xfd: {  	[tilespmem:v62+s12+$0x0] =	vst.idx.msk $0xffff, v35  }
0xfe: {  	v47 =	vor.u32 v3, v33;
	v34 =	vld.idx.msk [tilespmem:v63+s8+$0x0], $0xffff;
	[tilespmem:v45+s12+$0x0] =	vst.idx.msk $0xffff, v44  }
0xff: {  	v48 =	vor.u32 v20, v33;
	v49 =	vor.u32 v3, v38;
	v37 =	vld.idx.msk [tilespmem:v46+s8+$0x0], $0xffff  }
0x100: {  	v50 =	vor.u32 v20, v38;
	_ =	sdelay $0x2  }
0x101: {  	[tilespmem:v47+s12+$0x0] =	vst.idx.msk $0xffff, v34  }
0x102: {  	v51 =	vor.u32 v4, v33;
	v34 =	vld.idx.msk [tilespmem:v48+s8+$0x0], $0xffff;
	[tilespmem:v49+s12+$0x0] =	vst.idx.msk $0xffff, v37  }
0x103: {  	v52 =	vor.u32 v21, v33;
	v53 =	vor.u32 v4, v38;
	v37 =	vld.idx.msk [tilespmem:v50+s8+$0x0], $0xffff  }
0x104: {  	v54 =	vor.u32 v21, v38;
	_ =	sdelay $0x2  }
0x105: {  	[tilespmem:v51+s12+$0x0] =	vst.idx.msk $0xffff, v34  }
0x106: {  	v55 =	vor.u32 v5, v33;
	v34 =	vld.idx.msk [tilespmem:v52+s8+$0x0], $0xffff;
	[tilespmem:v53+s12+$0x0] =	vst.idx.msk $0xffff, v37  }
0x107: {  	v56 =	vor.u32 v22, v33;
	v57 =	vor.u32 v5, v38;
	v37 =	vld.idx.msk [tilespmem:v54+s8+$0x0], $0xffff  }
0x108: {  	v58 =	vor.u32 v22, v38;
	_ =	sdelay $0x2  }
0x109: {  	[tilespmem:v55+s12+$0x0] =	vst.idx.msk $0xffff, v34  }
0x10a: {  	v59 =	vor.u32 v6, v33;
	v34 =	vld.idx.msk [tilespmem:v56+s8+$0x0], $0xffff;
	[tilespmem:v57+s12+$0x0] =	vst.idx.msk $0xffff, v37  }
0x10b: {  	v60 =	vor.u32 v23, v33;
	v61 =	vor.u32 v6, v38;
	v37 =	vld.idx.msk [tilespmem:v58+s8+$0x0], $0xffff  }
0x10c: {  	v62 =	vor.u32 v23, v38;
	_ =	sdelay $0x2  }
0x10d: {  	[tilespmem:v59+s12+$0x0] =	vst.idx.msk $0xffff, v34  }
0x10e: {  	v63 =	vor.u32 v7, v33;
	v34 =	vld.idx.msk [tilespmem:v60+s8+$0x0], $0xffff;
	[tilespmem:v61+s12+$0x0] =	vst.idx.msk $0xffff, v37  }
0x10f: {  	v44 =	vor.u32 v24, v33;
	v45 =	vor.u32 v7, v38;
	v37 =	vld.idx.msk [tilespmem:v62+s8+$0x0], $0xffff  }
0x110: {  	v46 =	vor.u32 v24, v38;
	_ =	sdelay $0x2  }
0x111: {  	[tilespmem:v63+s12+$0x0] =	vst.idx.msk $0xffff, v34  }
0x112: {  	v47 =	vor.u32 v8, v33;
	v34 =	vld.idx.msk [tilespmem:v44+s8+$0x0], $0xffff;
	[tilespmem:v45+s12+$0x0] =	vst.idx.msk $0xffff, v37  }
0x113: {  	v48 =	vor.u32 v25, v33;
	v49 =	vor.u32 v8, v38;
	v37 =	vld.idx.msk [tilespmem:v46+s8+$0x0], $0xffff  }
0x114: {  	v50 =	vor.u32 v25, v38;
	_ =	sdelay $0x2  }
0x115: {  	[tilespmem:v47+s12+$0x0] =	vst.idx.msk $0xffff, v34  }
0x116: {  	v51 =	vor.u32 v9, v33;
	v34 =	vld.idx.msk [tilespmem:v48+s8+$0x0], $0xffff;
	[tilespmem:v49+s12+$0x0] =	vst.idx.msk $0xffff, v37  }
0x117: {  	v52 =	vor.u32 v26, v33;
	v53 =	vor.u32 v9, v38;
	v37 =	vld.idx.msk [tilespmem:v50+s8+$0x0], $0xffff  }
0x118: {  	v54 =	vor.u32 v26, v38;
	_ =	sdelay $0x2  }
0x119: {  	[tilespmem:v51+s12+$0x0] =	vst.idx.msk $0xffff, v34  }
0x11a: {  	v55 =	vor.u32 v10, v33;
	v34 =	vld.idx.msk [tilespmem:v52+s8+$0x0], $0xffff;
	[tilespmem:v53+s12+$0x0] =	vst.idx.msk $0xffff, v37  }
0x11b: {  	v56 =	vor.u32 v27, v33;
	v57 =	vor.u32 v10, v38;
	v37 =	vld.idx.msk [tilespmem:v54+s8+$0x0], $0xffff  }
0x11c: {  	v58 =	vor.u32 v27, v38;
	_ =	sdelay $0x2  }
0x11d: {  	[tilespmem:v55+s12+$0x0] =	vst.idx.msk $0xffff, v34  }
0x11e: {  	v59 =	vor.u32 v11, v33;
	v34 =	vld.idx.msk [tilespmem:v56+s8+$0x0], $0xffff;
	[tilespmem:v57+s12+$0x0] =	vst.idx.msk $0xffff, v37  }
0x11f: {  	v60 =	vor.u32 v28, v33;
	v61 =	vor.u32 v11, v38;
	v37 =	vld.idx.msk [tilespmem:v58+s8+$0x0], $0xffff  }
0x120: {  	v62 =	vor.u32 v28, v38;
	_ =	sdelay $0x2  }
0x121: {  	[tilespmem:v59+s12+$0x0] =	vst.idx.msk $0xffff, v34  }
0x122: {  	v63 =	vor.u32 v12, v33;
	v34 =	vld.idx.msk [tilespmem:v60+s8+$0x0], $0xffff;
	[tilespmem:v61+s12+$0x0] =	vst.idx.msk $0xffff, v37  }
0x123: {  	v44 =	vor.u32 v29, v33;
	v45 =	vor.u32 v12, v38;
	v37 =	vld.idx.msk [tilespmem:v62+s8+$0x0], $0xffff  }
0x124: {  	v46 =	vor.u32 v29, v38;
	_ =	sdelay $0x2  }
0x125: {  	[tilespmem:v63+s12+$0x0] =	vst.idx.msk $0xffff, v34  }
0x126: {  	v47 =	vor.u32 v13, v33;
	v34 =	vld.idx.msk [tilespmem:v44+s8+$0x0], $0xffff;
	[tilespmem:v45+s12+$0x0] =	vst.idx.msk $0xffff, v37  }
0x127: {  	v48 =	vor.u32 v30, v33;
	v49 =	vor.u32 v13, v38;
	v37 =	vld.idx.msk [tilespmem:v46+s8+$0x0], $0xffff  }
0x128: {  	v50 =	vor.u32 v30, v38;
	_ =	sdelay $0x2  }
0x129: {  	[tilespmem:v47+s12+$0x0] =	vst.idx.msk $0xffff, v34  }
0x12a: {  	v51 =	vor.u32 v14, v33;
	v34 =	vld.idx.msk [tilespmem:v48+s8+$0x0], $0xffff;
	[tilespmem:v49+s12+$0x0] =	vst.idx.msk $0xffff, v37  }
0x12b: {  	v52 =	vor.u32 v31, v33;
	v53 =	vor.u32 v14, v38;
	v37 =	vld.idx.msk [tilespmem:v50+s8+$0x0], $0xffff  }
0x12c: {  	v54 =	vor.u32 v31, v38;
	_ =	sdelay $0x2  }
0x12d: {  	[tilespmem:v51+s12+$0x0] =	vst.idx.msk $0xffff, v34  }
0x12e: {  	s25 =	sadd.s32 $0x2, s17;
	v41 =	vor.u32 v15, v33;
	v42 =	vor.u32 v32, v33;
	v36 =	vld.idx.msk [tilespmem:v52+s8+$0x0], $0xffff;
	[tilespmem:v53+s12+$0x0] =	vst.idx.msk $0xffff, v37  }
0x12f: {  	s26 =	sadd.s32 $0x3, s17;
	v43 =	vor.u32 v32, v38;
	v55 =	vor.u32 v15, v38;
	v56 =	vadd.s32 s25, v0;
	v37 =	vld.idx.msk [tilespmem:v54+s8+$0x0], $0xffff  }
0x130: {  	s28 =	sadd.s32 $0x4, s17;
	v39 =	vor.u32 v16, v33;
	v57 =	vadd.s32 s26, v0;
	v33 =	vand.u32 $0x7F, v56  }
0x131: {  	s29 =	sadd.s32 $0x5, s17;
	v58 =	vadd.s32 s28, v0;
	v44 =	vor.u32 v17, v33;
	v34 =	vand.u32 $0x7F, v57  }
0x132: {  	s30 =	sadd.s32 $0x6, s17;
	v35 =	vand.u32 $0x7F, v58;
	v46 =	vadd.s32 s29, v0;
	v45 =	vor.u32 v17, v34  }
0x133: {  	s31 =	sadd.s32 $0x7, s17;
	v59 =	vor.u32 v17, v35;
	v60 =	vadd.s32 s30, v0;
	[tilespmem:v41+s12+$0x0] =	vst.idx.msk $0xffff, v36;
	v36 =	vand.u32 $0x7F, v46  }
0x134: {  	v62 =	vadd.s32 s31, v0;
	v42 =	vld.idx.msk [tilespmem:v42+s8+$0x0], $0xffff;
	[tilespmem:v55+s12+$0x0] =	vst.idx.msk $0xffff, v37;
	v61 =	vor.u32 v17, v36;
	v37 =	vand.u32 $0x7F, v60  }
0x135: {  	v47 =	vor.u32 v16, v38;
	v38 =	vand.u32 $0x7F, v62;
	v43 =	vld.idx.msk [tilespmem:v43+s8+$0x0], $0xffff;
	v48 =	vor.u32 v17, v37  }
0x136: {  	v63 =	vor.u32 v1, v33;
	v44 =	vld.idx.msk [tilespmem:v44+s8+$0x0], $0xffff;
	v49 =	vor.u32 v17, v38  }
0x137: {  	v50 =	vor.u32 v18, v33;
	v51 =	vor.u32 v1, v34;
	v45 =	vld.idx.msk [tilespmem:v45+s8+$0x0], $0xffff  }
0x138: {  	v52 =	vor.u32 v18, v34;
	v53 =	vor.u32 v1, v35;
	v41 =	vld.idx.msk [tilespmem:v59+s8+$0x0], $0xffff  }
0x139: {  	v56 =	vor.u32 v1, v36;
	[tilespmem:v39+s12+$0x0] =	vst.idx.msk $0xffff, v42;
	v39 =	vor.u32 v18, v35;
	v40 =	vld.idx.msk [tilespmem:v61+s8+$0x0], $0xffff  }
0x13a: {  	v58 =	vor.u32 v1, v37;
	[tilespmem:v47+s12+$0x0] =	vst.idx.msk $0xffff, v43;
	v43 =	vor.u32 v18, v36;
	v57 =	vld.idx.msk [tilespmem:v48+s8+$0x0], $0xffff  }
0x13b: {  	[tilespmem:v63+s12+$0x0] =	vst.idx.msk $0xffff, v44;
	v46 =	vld.idx.msk [tilespmem:v49+s8+$0x0], $0xffff;
	v59 =	vor.u32 v1, v38;
	v44 =	vor.u32 v18, v37  }
0x13c: {  	v50 =	vld.idx.msk [tilespmem:v50+s8+$0x0], $0xffff;
	v60 =	vor.u32 v18, v38;
	[tilespmem:v51+s12+$0x0] =	vst.idx.msk $0xffff, v45;
	v45 =	vor.u32 v2, v33  }
0x13d: {  	v62 =	vor.u32 v2, v34;
	[tilespmem:v53+s12+$0x0] =	vst.idx.msk $0xffff, v41;
	v61 =	vor.u32 v19, v33;
	v52 =	vld.idx.msk [tilespmem:v52+s8+$0x0], $0xffff  }
0x13e: {  	v63 =	vor.u32 v19, v34;
	[tilespmem:v56+s12+$0x0] =	vst.idx.msk $0xffff, v40;
	v39 =	vld.idx.msk [tilespmem:v39+s8+$0x0], $0xffff;
	v56 =	vor.u32 v2, v35  }
0x13f: {  	[tilespmem:v58+s12+$0x0] =	vst.idx.msk $0xffff, v57;
	v57 =	vor.u32 v19, v35;
	v43 =	vld.idx.msk [tilespmem:v43+s8+$0x0], $0xffff;
	v58 =	vor.u32 v2, v36  }
0x140: {  	[tilespmem:v59+s12+$0x0] =	vst.idx.msk $0xffff, v46;
	v46 =	vor.u32 v19, v36;
	v59 =	vor.u32 v2, v37;
	v44 =	vld.idx.msk [tilespmem:v44+s8+$0x0], $0xffff  }
0x141: {  	[tilespmem:v45+s12+$0x0] =	vst.idx.msk $0xffff, v50;
	v45 =	vor.u32 v19, v37;
	v50 =	vld.idx.msk [tilespmem:v60+s8+$0x0], $0xffff;
	v60 =	vor.u32 v2, v38  }
0x142: {  	v41 =	vld.idx.msk [tilespmem:v61+s8+$0x0], $0xffff;
	[tilespmem:v62+s12+$0x0] =	vst.idx.msk $0xffff, v52;
	v52 =	vor.u32 v3, v33;
	v61 =	vor.u32 v19, v38  }
0x143: {  	v62 =	vor.u32 v20, v33;
	v40 =	vld.idx.msk [tilespmem:v63+s8+$0x0], $0xffff;
	v63 =	vor.u32 v3, v34;
	[tilespmem:v56+s12+$0x0] =	vst.idx.msk $0xffff, v39  }
0x144: {  	v56 =	vor.u32 v20, v34;
	[tilespmem:v58+s12+$0x0] =	vst.idx.msk $0xffff, v43;
	v47 =	vld.idx.msk [tilespmem:v57+s8+$0x0], $0xffff;
	v57 =	vor.u32 v3, v35  }
0x145: {  	v58 =	vor.u32 v20, v35;
	[tilespmem:v59+s12+$0x0] =	vst.idx.msk $0xffff, v44;
	v46 =	vld.idx.msk [tilespmem:v46+s8+$0x0], $0xffff;
	v59 =	vor.u32 v3, v36  }
0x146: {  	[tilespmem:v60+s12+$0x0] =	vst.idx.msk $0xffff, v50;
	v50 =	vor.u32 v20, v36;
	v60 =	vor.u32 v3, v37;
	v45 =	vld.idx.msk [tilespmem:v45+s8+$0x0], $0xffff  }
0x147: {  	[tilespmem:v52+s12+$0x0] =	vst.idx.msk $0xffff, v41;
	v41 =	vor.u32 v20, v37;
	v52 =	vld.idx.msk [tilespmem:v61+s8+$0x0], $0xffff;
	v61 =	vor.u32 v3, v38  }
0x148: {  	v39 =	vld.idx.msk [tilespmem:v62+s8+$0x0], $0xffff;
	[tilespmem:v63+s12+$0x0] =	vst.idx.msk $0xffff, v40;
	v40 =	vor.u32 v4, v33;
	v62 =	vor.u32 v20, v38  }
0x149: {  	v63 =	vor.u32 v21, v33;
	v43 =	vld.idx.msk [tilespmem:v56+s8+$0x0], $0xffff;
	v56 =	vor.u32 v4, v34;
	[tilespmem:v57+s12+$0x0] =	vst.idx.msk $0xffff, v47  }
0x14a: {  	v57 =	vor.u32 v21, v34;
	[tilespmem:v59+s12+$0x0] =	vst.idx.msk $0xffff, v46;
	v44 =	vld.idx.msk [tilespmem:v58+s8+$0x0], $0xffff;
	v58 =	vor.u32 v4, v35  }
0x14b: {  	v59 =	vor.u32 v21, v35;
	[tilespmem:v60+s12+$0x0] =	vst.idx.msk $0xffff, v45;
	v50 =	vld.idx.msk [tilespmem:v50+s8+$0x0], $0xffff;
	v60 =	vor.u32 v4, v36  }
0x14c: {  	[tilespmem:v61+s12+$0x0] =	vst.idx.msk $0xffff, v52;
	v52 =	vor.u32 v21, v36;
	v61 =	vor.u32 v4, v37;
	v41 =	vld.idx.msk [tilespmem:v41+s8+$0x0], $0xffff  }
0x14d: {  	[tilespmem:v40+s12+$0x0] =	vst.idx.msk $0xffff, v39;
	v39 =	vor.u32 v21, v37;
	v40 =	vld.idx.msk [tilespmem:v62+s8+$0x0], $0xffff;
	v62 =	vor.u32 v4, v38  }
0x14e: {  	v47 =	vld.idx.msk [tilespmem:v63+s8+$0x0], $0xffff;
	v63 =	vor.u32 v21, v38;
	[tilespmem:v56+s12+$0x0] =	vst.idx.msk $0xffff, v43;
	v43 =	vor.u32 v5, v33  }
0x14f: {  	v56 =	vor.u32 v22, v33;
	v46 =	vld.idx.msk [tilespmem:v57+s8+$0x0], $0xffff;
	v57 =	vor.u32 v5, v34;
	[tilespmem:v58+s12+$0x0] =	vst.idx.msk $0xffff, v44  }
0x150: {  	v58 =	vor.u32 v22, v34;
	[tilespmem:v60+s12+$0x0] =	vst.idx.msk $0xffff, v50;
	v45 =	vld.idx.msk [tilespmem:v59+s8+$0x0], $0xffff;
	v59 =	vor.u32 v5, v35  }
0x151: {  	v60 =	vor.u32 v22, v35;
	[tilespmem:v61+s12+$0x0] =	vst.idx.msk $0xffff, v41;
	v52 =	vld.idx.msk [tilespmem:v52+s8+$0x0], $0xffff;
	v61 =	vor.u32 v5, v36  }
0x152: {  	[tilespmem:v62+s12+$0x0] =	vst.idx.msk $0xffff, v40;
	v40 =	vor.u32 v22, v36;
	v62 =	vor.u32 v5, v37;
	v39 =	vld.idx.msk [tilespmem:v39+s8+$0x0], $0xffff  }
0x153: {  	[tilespmem:v43+s12+$0x0] =	vst.idx.msk $0xffff, v47;
	v43 =	vor.u32 v22, v37;
	v47 =	vld.idx.msk [tilespmem:v63+s8+$0x0], $0xffff;
	v63 =	vor.u32 v5, v38  }
0x154: {  	v44 =	vld.idx.msk [tilespmem:v56+s8+$0x0], $0xffff;
	[tilespmem:v57+s12+$0x0] =	vst.idx.msk $0xffff, v46;
	v46 =	vor.u32 v6, v33;
	v56 =	vor.u32 v22, v38  }
0x155: {  	v57 =	vor.u32 v23, v33;
	v50 =	vld.idx.msk [tilespmem:v58+s8+$0x0], $0xffff;
	v58 =	vor.u32 v6, v34;
	[tilespmem:v59+s12+$0x0] =	vst.idx.msk $0xffff, v45  }
0x156: {  	v59 =	vor.u32 v23, v34;
	[tilespmem:v61+s12+$0x0] =	vst.idx.msk $0xffff, v52;
	v41 =	vld.idx.msk [tilespmem:v60+s8+$0x0], $0xffff;
	v60 =	vor.u32 v6, v35  }
0x157: {  	v61 =	vor.u32 v23, v35;
	[tilespmem:v62+s12+$0x0] =	vst.idx.msk $0xffff, v39;
	v40 =	vld.idx.msk [tilespmem:v40+s8+$0x0], $0xffff;
	v62 =	vor.u32 v6, v36  }
0x158: {  	[tilespmem:v63+s12+$0x0] =	vst.idx.msk $0xffff, v47;
	v47 =	vor.u32 v23, v36;
	v63 =	vor.u32 v6, v37;
	v43 =	vld.idx.msk [tilespmem:v43+s8+$0x0], $0xffff  }
0x159: {  	[tilespmem:v46+s12+$0x0] =	vst.idx.msk $0xffff, v44;
	v44 =	vor.u32 v23, v37;
	v46 =	vld.idx.msk [tilespmem:v56+s8+$0x0], $0xffff;
	v56 =	vor.u32 v6, v38  }
0x15a: {  	v45 =	vld.idx.msk [tilespmem:v57+s8+$0x0], $0xffff;
	[tilespmem:v58+s12+$0x0] =	vst.idx.msk $0xffff, v50;
	v50 =	vor.u32 v7, v33;
	v57 =	vor.u32 v23, v38  }
0x15b: {  	v58 =	vor.u32 v24, v33;
	v52 =	vld.idx.msk [tilespmem:v59+s8+$0x0], $0xffff;
	v59 =	vor.u32 v7, v34;
	[tilespmem:v60+s12+$0x0] =	vst.idx.msk $0xffff, v41  }
0x15c: {  	v60 =	vor.u32 v24, v34;
	[tilespmem:v62+s12+$0x0] =	vst.idx.msk $0xffff, v40;
	v39 =	vld.idx.msk [tilespmem:v61+s8+$0x0], $0xffff;
	v61 =	vor.u32 v7, v35  }
0x15d: {  	v62 =	vor.u32 v24, v35;
	[tilespmem:v63+s12+$0x0] =	vst.idx.msk $0xffff, v43;
	v47 =	vld.idx.msk [tilespmem:v47+s8+$0x0], $0xffff;
	v63 =	vor.u32 v7, v36  }
0x15e: {  	[tilespmem:v56+s12+$0x0] =	vst.idx.msk $0xffff, v46;
	v46 =	vor.u32 v24, v36;
	v56 =	vor.u32 v7, v37;
	v44 =	vld.idx.msk [tilespmem:v44+s8+$0x0], $0xffff  }
0x15f: {  	[tilespmem:v50+s12+$0x0] =	vst.idx.msk $0xffff, v45;
	v45 =	vor.u32 v24, v37;
	v50 =	vld.idx.msk [tilespmem:v57+s8+$0x0], $0xffff;
	v57 =	vor.u32 v7, v38  }
0x160: {  	v41 =	vld.idx.msk [tilespmem:v58+s8+$0x0], $0xffff;
	[tilespmem:v59+s12+$0x0] =	vst.idx.msk $0xffff, v52;
	v52 =	vor.u32 v8, v33;
	v58 =	vor.u32 v24, v38  }
0x161: {  	v59 =	vor.u32 v25, v33;
	v40 =	vld.idx.msk [tilespmem:v60+s8+$0x0], $0xffff;
	v60 =	vor.u32 v8, v34;
	[tilespmem:v61+s12+$0x0] =	vst.idx.msk $0xffff, v39  }
0x162: {  	v61 =	vor.u32 v25, v34;
	[tilespmem:v63+s12+$0x0] =	vst.idx.msk $0xffff, v47;
	v43 =	vld.idx.msk [tilespmem:v62+s8+$0x0], $0xffff;
	v62 =	vor.u32 v8, v35  }
0x163: {  	v63 =	vor.u32 v25, v35;
	[tilespmem:v56+s12+$0x0] =	vst.idx.msk $0xffff, v44;
	v46 =	vld.idx.msk [tilespmem:v46+s8+$0x0], $0xffff;
	v56 =	vor.u32 v8, v36  }
0x164: {  	[tilespmem:v57+s12+$0x0] =	vst.idx.msk $0xffff, v50;
	v50 =	vor.u32 v25, v36;
	v57 =	vor.u32 v8, v37;
	v45 =	vld.idx.msk [tilespmem:v45+s8+$0x0], $0xffff  }
0x165: {  	[tilespmem:v52+s12+$0x0] =	vst.idx.msk $0xffff, v41;
	v41 =	vor.u32 v25, v37;
	v52 =	vld.idx.msk [tilespmem:v58+s8+$0x0], $0xffff;
	v58 =	vor.u32 v8, v38  }
0x166: {  	v39 =	vld.idx.msk [tilespmem:v59+s8+$0x0], $0xffff;
	[tilespmem:v60+s12+$0x0] =	vst.idx.msk $0xffff, v40;
	v40 =	vor.u32 v9, v33;
	v59 =	vor.u32 v25, v38  }
0x167: {  	v60 =	vor.u32 v26, v33;
	v47 =	vld.idx.msk [tilespmem:v61+s8+$0x0], $0xffff;
	v61 =	vor.u32 v9, v34;
	[tilespmem:v62+s12+$0x0] =	vst.idx.msk $0xffff, v43  }
0x168: {  	v62 =	vor.u32 v26, v34;
	[tilespmem:v56+s12+$0x0] =	vst.idx.msk $0xffff, v46;
	v44 =	vld.idx.msk [tilespmem:v63+s8+$0x0], $0xffff;
	v63 =	vor.u32 v9, v35  }
0x169: {  	v56 =	vor.u32 v26, v35;
	[tilespmem:v57+s12+$0x0] =	vst.idx.msk $0xffff, v45;
	v50 =	vld.idx.msk [tilespmem:v50+s8+$0x0], $0xffff;
	v57 =	vor.u32 v9, v36  }
0x16a: {  	[tilespmem:v58+s12+$0x0] =	vst.idx.msk $0xffff, v52;
	v52 =	vor.u32 v26, v36;
	v58 =	vor.u32 v9, v37;
	v41 =	vld.idx.msk [tilespmem:v41+s8+$0x0], $0xffff  }
0x16b: {  	[tilespmem:v40+s12+$0x0] =	vst.idx.msk $0xffff, v39;
	v39 =	vor.u32 v26, v37;
	v40 =	vld.idx.msk [tilespmem:v59+s8+$0x0], $0xffff;
	v59 =	vor.u32 v9, v38  }
0x16c: {  	v43 =	vld.idx.msk [tilespmem:v60+s8+$0x0], $0xffff;
	[tilespmem:v61+s12+$0x0] =	vst.idx.msk $0xffff, v47;
	v47 =	vor.u32 v10, v33;
	v60 =	vor.u32 v26, v38  }
0x16d: {  	v61 =	vor.u32 v27, v33;
	v46 =	vld.idx.msk [tilespmem:v62+s8+$0x0], $0xffff;
	v62 =	vor.u32 v10, v34;
	[tilespmem:v63+s12+$0x0] =	vst.idx.msk $0xffff, v44  }
0x16e: {  	v63 =	vor.u32 v27, v34;
	[tilespmem:v57+s12+$0x0] =	vst.idx.msk $0xffff, v50;
	v45 =	vld.idx.msk [tilespmem:v56+s8+$0x0], $0xffff;
	v56 =	vor.u32 v10, v35  }
0x16f: {  	v57 =	vor.u32 v27, v35;
	[tilespmem:v58+s12+$0x0] =	vst.idx.msk $0xffff, v41;
	v52 =	vld.idx.msk [tilespmem:v52+s8+$0x0], $0xffff;
	v58 =	vor.u32 v10, v36  }
0x170: {  	[tilespmem:v59+s12+$0x0] =	vst.idx.msk $0xffff, v40;
	v40 =	vor.u32 v27, v36;
	v59 =	vor.u32 v10, v37;
	v39 =	vld.idx.msk [tilespmem:v39+s8+$0x0], $0xffff  }
0x171: {  	[tilespmem:v47+s12+$0x0] =	vst.idx.msk $0xffff, v43;
	v43 =	vor.u32 v27, v37;
	v47 =	vld.idx.msk [tilespmem:v60+s8+$0x0], $0xffff;
	v60 =	vor.u32 v10, v38  }
0x172: {  	v44 =	vld.idx.msk [tilespmem:v61+s8+$0x0], $0xffff;
	[tilespmem:v62+s12+$0x0] =	vst.idx.msk $0xffff, v46;
	v46 =	vor.u32 v11, v33;
	v61 =	vor.u32 v27, v38  }
0x173: {  	v62 =	vor.u32 v28, v33;
	v50 =	vld.idx.msk [tilespmem:v63+s8+$0x0], $0xffff;
	v63 =	vor.u32 v11, v34;
	[tilespmem:v56+s12+$0x0] =	vst.idx.msk $0xffff, v45  }
0x174: {  	v56 =	vor.u32 v28, v34;
	[tilespmem:v58+s12+$0x0] =	vst.idx.msk $0xffff, v52;
	v41 =	vld.idx.msk [tilespmem:v57+s8+$0x0], $0xffff;
	v57 =	vor.u32 v11, v35  }
0x175: {  	v58 =	vor.u32 v28, v35;
	[tilespmem:v59+s12+$0x0] =	vst.idx.msk $0xffff, v39;
	v40 =	vld.idx.msk [tilespmem:v40+s8+$0x0], $0xffff;
	v59 =	vor.u32 v11, v36  }
0x176: {  	[tilespmem:v60+s12+$0x0] =	vst.idx.msk $0xffff, v47;
	v47 =	vor.u32 v28, v36;
	v60 =	vor.u32 v11, v37;
	v43 =	vld.idx.msk [tilespmem:v43+s8+$0x0], $0xffff  }
0x177: {  	[tilespmem:v46+s12+$0x0] =	vst.idx.msk $0xffff, v44;
	v44 =	vor.u32 v28, v37;
	v46 =	vld.idx.msk [tilespmem:v61+s8+$0x0], $0xffff;
	v61 =	vor.u32 v11, v38  }
0x178: {  	v45 =	vld.idx.msk [tilespmem:v62+s8+$0x0], $0xffff;
	[tilespmem:v63+s12+$0x0] =	vst.idx.msk $0xffff, v50;
	v50 =	vor.u32 v12, v33;
	v62 =	vor.u32 v28, v38  }
0x179: {  	v63 =	vor.u32 v29, v33;
	v52 =	vld.idx.msk [tilespmem:v56+s8+$0x0], $0xffff;
	v56 =	vor.u32 v12, v34;
	[tilespmem:v57+s12+$0x0] =	vst.idx.msk $0xffff, v41  }
0x17a: {  	v57 =	vor.u32 v29, v34;
	[tilespmem:v59+s12+$0x0] =	vst.idx.msk $0xffff, v40;
	v39 =	vld.idx.msk [tilespmem:v58+s8+$0x0], $0xffff;
	v58 =	vor.u32 v12, v35  }
0x17b: {  	v59 =	vor.u32 v29, v35;
	[tilespmem:v60+s12+$0x0] =	vst.idx.msk $0xffff, v43;
	v47 =	vld.idx.msk [tilespmem:v47+s8+$0x0], $0xffff;
	v60 =	vor.u32 v12, v36  }
0x17c: {  	[tilespmem:v61+s12+$0x0] =	vst.idx.msk $0xffff, v46;
	v46 =	vor.u32 v29, v36;
	v61 =	vor.u32 v12, v37;
	v44 =	vld.idx.msk [tilespmem:v44+s8+$0x0], $0xffff  }
0x17d: {  	[tilespmem:v50+s12+$0x0] =	vst.idx.msk $0xffff, v45;
	v45 =	vor.u32 v29, v37;
	v50 =	vld.idx.msk [tilespmem:v62+s8+$0x0], $0xffff;
	v62 =	vor.u32 v12, v38  }
0x17e: {  	v41 =	vld.idx.msk [tilespmem:v63+s8+$0x0], $0xffff;
	[tilespmem:v56+s12+$0x0] =	vst.idx.msk $0xffff, v52;
	v52 =	vor.u32 v13, v33;
	v63 =	vor.u32 v29, v38  }
0x17f: {  	v56 =	vor.u32 v30, v33;
	v40 =	vld.idx.msk [tilespmem:v57+s8+$0x0], $0xffff;
	v57 =	vor.u32 v13, v34;
	[tilespmem:v58+s12+$0x0] =	vst.idx.msk $0xffff, v39  }
0x180: {  	v58 =	vor.u32 v30, v34;
	[tilespmem:v60+s12+$0x0] =	vst.idx.msk $0xffff, v47;
	v43 =	vld.idx.msk [tilespmem:v59+s8+$0x0], $0xffff;
	v59 =	vor.u32 v13, v35  }
0x181: {  	v60 =	vor.u32 v30, v35;
	[tilespmem:v61+s12+$0x0] =	vst.idx.msk $0xffff, v44;
	v46 =	vld.idx.msk [tilespmem:v46+s8+$0x0], $0xffff;
	v61 =	vor.u32 v13, v36  }
0x182: {  	[tilespmem:v62+s12+$0x0] =	vst.idx.msk $0xffff, v50;
	v50 =	vor.u32 v30, v36;
	v62 =	vor.u32 v13, v37;
	v45 =	vld.idx.msk [tilespmem:v45+s8+$0x0], $0xffff  }
0x183: {  	[tilespmem:v52+s12+$0x0] =	vst.idx.msk $0xffff, v41;
	v41 =	vor.u32 v30, v37;
	v52 =	vld.idx.msk [tilespmem:v63+s8+$0x0], $0xffff;
	v63 =	vor.u32 v13, v38  }
0x184: {  	v39 =	vld.idx.msk [tilespmem:v56+s8+$0x0], $0xffff;
	[tilespmem:v57+s12+$0x0] =	vst.idx.msk $0xffff, v40;
	v40 =	vor.u32 v14, v33;
	v56 =	vor.u32 v30, v38  }
0x185: {  	v57 =	vor.u32 v31, v33;
	v47 =	vld.idx.msk [tilespmem:v58+s8+$0x0], $0xffff;
	v58 =	vor.u32 v14, v34;
	[tilespmem:v59+s12+$0x0] =	vst.idx.msk $0xffff, v43  }
0x186: {  	v59 =	vor.u32 v31, v34;
	[tilespmem:v61+s12+$0x0] =	vst.idx.msk $0xffff, v46;
	v44 =	vld.idx.msk [tilespmem:v60+s8+$0x0], $0xffff;
	v60 =	vor.u32 v14, v35  }
0x187: {  	v61 =	vor.u32 v31, v35;
	[tilespmem:v62+s12+$0x0] =	vst.idx.msk $0xffff, v45;
	v50 =	vld.idx.msk [tilespmem:v50+s8+$0x0], $0xffff;
	v62 =	vor.u32 v14, v36  }
0x188: {  	[tilespmem:v63+s12+$0x0] =	vst.idx.msk $0xffff, v52;
	v52 =	vor.u32 v31, v36;
	v63 =	vor.u32 v14, v37;
	v41 =	vld.idx.msk [tilespmem:v41+s8+$0x0], $0xffff  }
0x189: {  	[tilespmem:v40+s12+$0x0] =	vst.idx.msk $0xffff, v39;
	v39 =	vor.u32 v31, v37;
	v40 =	vld.idx.msk [tilespmem:v56+s8+$0x0], $0xffff;
	v56 =	vor.u32 v14, v38  }
0x18a: {  	v43 =	vld.idx.msk [tilespmem:v57+s8+$0x0], $0xffff;
	[tilespmem:v58+s12+$0x0] =	vst.idx.msk $0xffff, v47;
	v57 =	vor.u32 v15, v33;
	v58 =	vor.u32 v31, v38  }
0x18b: {  	v46 =	vld.idx.msk [tilespmem:v59+s8+$0x0], $0xffff;
	v59 =	vor.u32 v15, v34;
	[tilespmem:v60+s12+$0x0] =	vst.idx.msk $0xffff, v44;
	v44 =	vor.u32 v32, v33  }
0x18c: {  	v60 =	vor.u32 v32, v34;
	[tilespmem:v62+s12+$0x0] =	vst.idx.msk $0xffff, v50;
	v45 =	vld.idx.msk [tilespmem:v61+s8+$0x0], $0xffff;
	v61 =	vor.u32 v15, v35  }
0x18d: {  	v62 =	vor.u32 v32, v35;
	[tilespmem:v63+s12+$0x0] =	vst.idx.msk $0xffff, v41;
	v52 =	vld.idx.msk [tilespmem:v52+s8+$0x0], $0xffff;
	v63 =	vor.u32 v15, v36  }
0x18e: {  	v54 =	vor.u32 v32, v36;
	v55 =	vor.u32 v15, v37;
	[tilespmem:v56+s12+$0x0] =	vst.idx.msk $0xffff, v40;
	v39 =	vld.idx.msk [tilespmem:v39+s8+$0x0], $0xffff  }
0x18f: {  	v56 =	vor.u32 v32, v37;
	[tilespmem:v57+s12+$0x0] =	vst.idx.msk $0xffff, v43;
	v57 =	vld.idx.msk [tilespmem:v58+s8+$0x0], $0xffff;
	v58 =	vor.u32 v15, v38  }
0x190: {  	v33 =	vor.u32 v16, v33;
	[tilespmem:v59+s12+$0x0] =	vst.idx.msk $0xffff, v46;
	v59 =	vor.u32 v32, v38;
	v44 =	vld.idx.msk [tilespmem:v44+s8+$0x0], $0xffff  }
0x191: {  	v34 =	vor.u32 v16, v34;
	v60 =	vld.idx.msk [tilespmem:v60+s8+$0x0], $0xffff;
	[tilespmem:v61+s12+$0x0] =	vst.idx.msk $0xffff, v45  }
0x192: {  	v35 =	vor.u32 v16, v35;
	[tilespmem:v63+s12+$0x0] =	vst.idx.msk $0xffff, v52;
	v41 =	vld.idx.msk [tilespmem:v62+s8+$0x0], $0xffff  }
0x193: {  	v36 =	vor.u32 v16, v36;
	[tilespmem:v55+s12+$0x0] =	vst.idx.msk $0xffff, v39;
	v61 =	vld.idx.msk [tilespmem:v54+s8+$0x0], $0xffff  }
0x194: {  	v37 =	vor.u32 v16, v37;
	[tilespmem:v58+s12+$0x0] =	vst.idx.msk $0xffff, v57;
	v62 =	vld.idx.msk [tilespmem:v56+s8+$0x0], $0xffff  }
0x195: {  	p0 =	slt.u32 s17, $0x78;
	v38 =	vor.u32 v16, v38;
	v63 =	vld.idx.msk [tilespmem:v59+s8+$0x0], $0xffff;
	[tilespmem:v33+s12+$0x0] =	vst.idx.msk $0xffff, v44  }
.Ltmp1:
0x196: {  	[tilespmem:v34+s12+$0x0] =	vst.idx.msk $0xffff, v60;
	(pc) =	sbr.rel @p0 .LBB2_5-.Ltmp1, $4  }
0x197: {  	[tilespmem:v35+s12+$0x0] =	vst.idx.msk $0xffff, v41  }
0x198: {  	[tilespmem:v36+s12+$0x0] =	vst.idx.msk $0xffff, v61  }
0x199: {  	[tilespmem:v37+s12+$0x0] =	vst.idx.msk $0xffff, v62  }
0x19a: {  	s17 =	sadd.s32 $0x8, s17;
	[tilespmem:v38+s12+$0x0] =	vst.idx.msk $0xffff, v63  }
0x19b: {  	s16 =	sadd.s32 $0x1, s16  }
0x19c: {  	p0 =	sne.s32 s16, $0x32  }
.Ltmp2:
0x19d: {  	s17 =	sadd.s32 s4, s18;
	(pc) =	sbr.rel @p0 .LBB2_2-.Ltmp2, $4  }
0x19e: {  	s17 =	sshll.u32 s17, $0x4  }
0x19f: {  	s17 =	sand.u32 $0x1FFFF000, s17  }
0x1a0: {  	s17 =	sadd.s32 s3, s17  }
0x1a1: {  	[hbm4b:s17+s5] =	stream.linear.scatter [tilespmem:s12], [sflag:$0x3], $0x8000, $0x38;
	[tilespmem:$0x16680] =	vst v63  }
0x1a2: {  	s15 =	sadd.s32 $0x1, s15  }
0x1a3: {  	_ =	swait.ge [sflag:s13], $0x8000;
	p0 =	sne.s32 s15, s7  }
.Ltmp3:
0x1a4: {  	[sflag:s13] =	ssyncset.done $0x0;
	(pc) =	sbr.rel @p0 .LBB2_1-.Ltmp3, $4  }
0x1a5: {  	[sflag:s13] =	ssyncadd.s32 $0xFFFF8000  }
0x1a6: {  	_ =	swait.ge [sflag:s14], $0x8000  }
0x1a7: {  	[sflag:s14] =	ssyncset.done $0x0  }
0x1a8: {  	[sflag:s14] =	ssyncadd.s32 $0xFFFF8000  }
0x1a9: {  	_ =	sfence.sel $0x180000  }
0x1aa: {  	[bflag:$0x0] =	sbarrier.arrive $0xFFFF  }
0x1ab: {  	p0 =	sne.s32 s0, $0x0;
	_ =	strace $0x90000047  }
0x1ac: {  	s0 =	sadd.s32 @!p0 $0x100000, s1;
	[bflag:$0x2] =	sbarrier.arrive $0xFFFF  }
0x1ad: {  	[sflag:s0] =	ssyncadd.tile.s32 @!p0 $0x1;
	_ =	shalt  }
.Lfunc_end2:
_tile_overlayer_lowered:
.L_overlay_start_2:
0x1ae: {  	(tag) =	ssettag $0x2  }
0x1af: {  	s0 =	rddreg [dreg:$0x0];
	s2 =	stileid.u32  }
0x1b0: {  	s1 =	rddreg [dreg:$0x1];
	p0 =	sne.s32 s2, $0x0  }
0x1b1: {  	s3 =	rddreg [dreg:$0x2];
	[bflag:$0x3] =	sbarrier.arrive $0xFFFF;
	s2 =	simm.s32 @!p0 $0x1C04  }
0x1b2: {  	[timem:s3], [sflag:s2] =	dma.local @!p0 [hbm:s0], s1  }
0x1b3: {  	s0 =	simm.s32 @!p0 $0x4  }
0x1b4: {  	_ =	swait.ge @!p0 [sflag:s0], s1  }
0x1b5: {  	s1 =	ssub.s32 @!p0 $0x0, s1;
	[sflag:s0] =	ssyncset.done @!p0 $0x0  }
0x1b6: {  	[sflag:s0] =	ssyncadd.s32 @!p0 s1  }
0x1b7: {  	[bflag:$0x3] =	sbarrier.arrive $0xFFFF  }
0x1b8: {  	_ =	shalt  }

</sc_bundles>
